<compile_context>
chip_gen: v7x
topology: tpu7x:2x2x1
jax: 0.10.2.dev20260603
libtpu: 0.0.44.dev20260713+nightly
codegen_flags: <defaults>
</compile_context>

<pallas_src>
import functools

import jax
import jax.numpy as jnp
from jax import lax
from jax.experimental import pallas as pl
from jax.experimental.pallas import tpu as pltpu
from jax.experimental.pallas import tpu_sc as plsc

N_NODES = 10000
N_EDGES = 320000
D_FEAT = 128
NHID = 128
LATENT = 64

NC = 2
NS = 16
NW = NC * NS
CH = 128

NPAD = 10240
STRIPE = NPAD // NS
DUMMY = NPAD - 8

NCH = 80
TCH = NW * NCH
BS = 40
NB = 2
EPAD = TCH * CH


@functools.lru_cache(maxsize=1)
def _sc_kernels():
    mesh = plsc.VectorSubcoreMesh(core_axis_name="c", subcore_axis_name="s",
                                  num_cores=NC, num_subcores=NS)

    @functools.partial(
        pl.kernel,
        out_type=jax.ShapeDtypeStruct((NC, NPAD, D_FEAT), jnp.float32),
        mesh=mesh,
        scratch_types=[
            pltpu.VMEM((NCH, CH), jnp.int32),
            pltpu.VMEM((CH, D_FEAT), jnp.float32),
            pltpu.VMEM_SHARED((NPAD, D_FEAT), jnp.float32),
        ],
    )
    def hist(dst_hbm, ones_hbm, zeros_hbm, out_hbm, idxd_v, ones_v, acc_sh):
        c = lax.axis_index("c")
        s = lax.axis_index("s")
        pltpu.sync_copy(zeros_hbm, acc_sh.at[pl.ds(s * STRIPE, STRIPE)])
        pltpu.sync_copy(ones_hbm, ones_v)
        w = c * NS + s
        pltpu.sync_copy(dst_hbm.at[pl.ds(w * NCH, NCH)], idxd_v)
        plsc.subcore_barrier()

        def outer(k, carry):
            pltpu.sync_copy(ones_v, acc_sh.at[idxd_v.at[k]], add=True)
            return carry

        lax.fori_loop(0, NCH, outer, 0)
        plsc.subcore_barrier()
        pltpu.sync_copy(acc_sh.at[pl.ds(s * STRIPE, STRIPE)],
                        out_hbm.at[c, pl.ds(s * STRIPE, STRIPE)])

    @functools.partial(
        pl.kernel,
        out_type=jax.ShapeDtypeStruct((NC, NPAD, D_FEAT), jnp.float32),
        mesh=mesh,
        scratch_types=[
            pltpu.VMEM((BS, CH), jnp.int32),
            pltpu.VMEM((BS, CH), jnp.int32) ,
            pltpu.VMEM((2, CH, D_FEAT), jnp.float32),
            pltpu.VMEM_SHARED((NPAD, D_FEAT), jnp.float32),
            pltpu.SemaphoreType.DMA,
            pltpu.SemaphoreType.DMA,
        ],
    )
    def prop(src_hbm, dst_hbm, table_hbm, zeros_hbm, out_hbm,
             idxs_v, idxd_v, rows3, acc_sh, sem0, sem1):
        rows = [rows3.at[0], rows3.at[1]]
        sems = [sem0, sem1]
        c = lax.axis_index("c")
        s = lax.axis_index("s")
        pltpu.sync_copy(zeros_hbm, acc_sh.at[pl.ds(s * STRIPE, STRIPE)])
        chunk0 = (c * NS + s) * (NB * BS)
        plsc.subcore_barrier()

        def block(bb, carry):
            bbase = chunk0 + bb * BS
            pltpu.sync_copy(src_hbm.at[pl.ds(bbase, BS)], idxs_v)
            pltpu.sync_copy(dst_hbm.at[pl.ds(bbase, BS)], idxd_v)
            for b in range(2):
                pltpu.async_copy(table_hbm.at[idxs_v.at[b]], rows[b], sems[b])

            def outer(g, carry2):
                for b in range(2):
                    k = g * 2 + b
                    pltpu.make_async_copy(
                        table_hbm.at[idxs_v.at[k]], rows[b], sems[b]).wait()
                    pltpu.sync_copy(rows[b], acc_sh.at[idxd_v.at[k]], add=True)

                    @pl.when(k + 2 < BS)
                    def _next():
                        pltpu.async_copy(
                            table_hbm.at[idxs_v.at[k + 2]], rows[b], sems[b])
                return carry2

            lax.fori_loop(0, BS // 2, outer, 0)
            return carry

        lax.fori_loop(0, NB, block, 0)
        plsc.subcore_barrier()
        pltpu.sync_copy(acc_sh.at[pl.ds(s * STRIPE, STRIPE)],
                        out_hbm.at[c, pl.ds(s * STRIPE, STRIPE)])

    return hist, prop



BR = 1024


def _mm_body(x_ref, w_ref, h1_ref):
    h1_ref[...] = jnp.dot(x_ref[...], w_ref[...],
                          preferred_element_type=jnp.float32)


def _tc_mm(x_p, W1):
    grid = (NPAD // BR,)
    return pl.pallas_call(
        _mm_body,
        grid=grid,
        in_specs=[
            pl.BlockSpec((BR, D_FEAT), lambda i: (i, 0)),
            pl.BlockSpec((D_FEAT, NHID), lambda i: (0, 0)),
        ],
        out_specs=pl.BlockSpec((BR, NHID), lambda i: (i, 0)),
        out_shape=jax.ShapeDtypeStruct((NPAD, NHID), jnp.float32),
    )(x_p, W1)


def _scale_body(h1_ref, deg_ref, u1_ref, dinv_ref):
    deg = deg_ref[0, :, 0] + deg_ref[1, :, 0] + 1.0
    dinv = lax.rsqrt(deg)
    u1_ref[...] = h1_ref[...] * dinv[:, None]
    dinv_ref[...] = dinv


def _tc_scale(h1, deg_parts):
    grid = (NPAD // BR,)
    return pl.pallas_call(
        _scale_body,
        grid=grid,
        in_specs=[
            pl.BlockSpec((BR, NHID), lambda i: (i, 0)),
            pl.BlockSpec((NC, BR, D_FEAT), lambda i: (0, i, 0)),
        ],
        out_specs=[
            pl.BlockSpec((BR, NHID), lambda i: (i, 0)),
            pl.BlockSpec((BR,), lambda i: (i,)),
        ],
        out_shape=[
            jax.ShapeDtypeStruct((NPAD, NHID), jnp.float32),
            jax.ShapeDtypeStruct((NPAD,), jnp.float32),
        ],
    )(h1, deg_parts)


def _mid_body(p_ref, dinv_ref, h1_ref, b1_ref, h_ref, u2_ref):
    dv = dinv_ref[...][:, None]
    t = (p_ref[0] + p_ref[1]) * dv + dv * dv * h1_ref[...] + b1_ref[...]
    h = jnp.maximum(t, 0.0)
    h_ref[...] = h
    u2_ref[...] = h * dv


def _tc_mid(p1, dinv, h1, b1):
    grid = (NPAD // BR,)
    return pl.pallas_call(
        _mid_body,
        grid=grid,
        in_specs=[
            pl.BlockSpec((NC, BR, NHID), lambda i: (0, i, 0)),
            pl.BlockSpec((BR,), lambda i: (i,)),
            pl.BlockSpec((BR, NHID), lambda i: (i, 0)),
            pl.BlockSpec((NHID,), lambda i: (0,)),
        ],
        out_specs=[
            pl.BlockSpec((BR, NHID), lambda i: (i, 0)),
            pl.BlockSpec((BR, NHID), lambda i: (i, 0)),
        ],
        out_shape=[
            jax.ShapeDtypeStruct((NPAD, NHID), jnp.float32),
            jax.ShapeDtypeStruct((NPAD, NHID), jnp.float32),
        ],
    )(p1, dinv, h1, b1)


def _fin_body(p_ref, dinv_ref, h_ref, wm_ref, bm_ref, wl_ref, bl_ref,
              mu_ref, lv_ref):
    dv = dinv_ref[...][:, None]
    g = (p_ref[0] + p_ref[1]) * dv + dv * dv * h_ref[...]
    mu_ref[...] = jnp.dot(g, wm_ref[...], preferred_element_type=jnp.float32) + bm_ref[...]
    lv_ref[...] = jnp.dot(g, wl_ref[...], preferred_element_type=jnp.float32) + bl_ref[...]


def _tc_fin(p2, dinv, h, W_mu, b_mu, W_logvar, b_logvar):
    grid = (NPAD // BR,)
    return pl.pallas_call(
        _fin_body,
        grid=grid,
        in_specs=[
            pl.BlockSpec((NC, BR, NHID), lambda i: (0, i, 0)),
            pl.BlockSpec((BR,), lambda i: (i,)),
            pl.BlockSpec((BR, NHID), lambda i: (i, 0)),
            pl.BlockSpec((NHID, LATENT), lambda i: (0, 0)),
            pl.BlockSpec((LATENT,), lambda i: (0,)),
            pl.BlockSpec((NHID, LATENT), lambda i: (0, 0)),
            pl.BlockSpec((LATENT,), lambda i: (0,)),
        ],
        out_specs=[
            pl.BlockSpec((BR, LATENT), lambda i: (i, 0)),
            pl.BlockSpec((BR, LATENT), lambda i: (i, 0)),
        ],
        out_shape=[
            jax.ShapeDtypeStruct((NPAD, LATENT), jnp.float32),
            jax.ShapeDtypeStruct((NPAD, LATENT), jnp.float32),
        ],
    )(p2, dinv, h, W_mu, b_mu, W_logvar, b_logvar)



@jax.jit
def kernel(x, edge_index, W1, b1, W_mu, b_mu, W_logvar, b_logvar):
    src = edge_index[0]
    dst = edge_index[1]
    pad = EPAD - N_EDGES
    src_pad = jnp.arange(pad, dtype=jnp.int32) % N_NODES
    src_p = jnp.concatenate([src, src_pad]).reshape(NW * NCH, CH)
    dst_p = jnp.concatenate([dst, jnp.full((pad,), DUMMY, jnp.int32)]).reshape(
        NW * NCH, CH)
    x_p = jnp.pad(x, ((0, NPAD - N_NODES), (0, 0)))

    zerosD = jnp.zeros((STRIPE, D_FEAT), jnp.float32)

    hist, prop = _sc_kernels()
    onesD = jnp.ones((CH, D_FEAT), jnp.float32)
    deg_parts = hist(dst_p, onesD, zerosD)
    h1 = _tc_mm(x_p, W1)
    u1, dinv = _tc_scale(h1, deg_parts)
    p1 = prop(src_p, dst_p, u1, zerosD)
    h, u2 = _tc_mid(p1, dinv, h1, b1)
    p2 = prop(src_p, dst_p, u2, zerosD)
    mu, logvar = _tc_fin(p2, dinv, h, W_mu, b_mu, W_logvar, b_logvar)
    return mu[:N_NODES], logvar[:N_NODES]

# --- scband reference (transcript-rebuilt; emitter-appended) ---
"""Pipeline reference for scband-vencoder-18056042512862 (READ-ONLY COPY).

The authoritative reference and input builder live on the scoring server;
editing this copy changes nothing except your own understanding.
"""

import jax, jax.numpy as jnp
import numpy as np

N_NODES = 10000
N_EDGES = 320000
D_FEAT = 128
NHID = 128
LATENT = 64


def gcn_conv(x, src, dst, W, b):
    n = x.shape[0]
    loop = jnp.arange(n, dtype=src.dtype)
    s = jnp.concatenate([src, loop])
    d = jnp.concatenate([dst, loop])
    deg = jnp.zeros((n,), dtype=x.dtype).at[d].add(1.0)
    dinv = jnp.where(deg > 0, deg ** -0.5, 0.0)
    norm = dinv[s] * dinv[d]
    h = x @ W
    msg = h[s] * norm[:, None]
    out = jax.ops.segment_sum(msg, d, num_segments=n)
    return out + b


def setup_inputs(seed: int = 0):
    key = jax.random.key(seed)
    ks = jax.random.split(key, 8)
    x = jax.random.normal(ks[0], (N_NODES, D_FEAT), dtype=jnp.float32)
    edge_index = jax.random.randint(ks[1], (2, N_EDGES), 0, N_NODES, dtype=jnp.int32)
    W1 = jax.random.normal(ks[2], (D_FEAT, NHID), dtype=jnp.float32) * (1.0 / np.sqrt(D_FEAT))
    b1 = jnp.zeros((NHID,), dtype=jnp.float32)
    W_mu = jax.random.normal(ks[3], (NHID, LATENT), dtype=jnp.float32) * (1.0 / np.sqrt(NHID))
    b_mu = jnp.zeros((LATENT,), dtype=jnp.float32)
    W_logvar = jax.random.normal(ks[4], (NHID, LATENT), dtype=jnp.float32) * (1.0 / np.sqrt(NHID))
    b_logvar = jnp.zeros((LATENT,), dtype=jnp.float32)
    return {"x": x, "edge_index": edge_index, "W1": W1, "b1": b1, "W_mu": W_mu, "b_mu": b_mu, "W_logvar": W_logvar, "b_logvar": b_logvar}


def reference(x, edge_index, W1, b1, W_mu, b_mu, W_logvar, b_logvar):
    # eval mode: dropout is identity
    src, dst = edge_index[0], edge_index[1]
    h = jax.nn.relu(gcn_conv(x, src, dst, W1, b1))
    mu = gcn_conv(h, src, dst, W_mu, b_mu)
    logvar = gcn_conv(h, src, dst, W_logvar, b_logvar)
    return (mu, logvar)

if __name__ == "__main__":
    import jax
    _d = setup_inputs()
    print(jax.jit(kernel)(*tuple(_d.values())))

</pallas_src>

<mosaic_0001>
#map = affine_map<(d0, d1) -> (0, 0)>
#map1 = affine_map<(d0, d1) -> (0, 0, 0)>
module attributes {stable_mosaic.version = 14 : i64} {
  func.func @prop(%arg0: i32, %arg1: i32, %arg2: memref<2560x128xi32, #tpu.memory_space<hbm>>, %arg3: memref<2560x128xi32, #tpu.memory_space<hbm>>, %arg4: memref<10240x128xf32, #tpu.memory_space<hbm>>, %arg5: memref<640x128xf32, #tpu.memory_space<hbm>>, %arg6: memref<2x10240x128xf32, #tpu.memory_space<hbm>>, %arg7: memref<40x128xi32, #tpu.memory_space<vmem>>, %arg8: memref<40x128xi32, #tpu.memory_space<vmem>>, %arg9: memref<2x128x128xf32, #tpu.memory_space<vmem>>, %arg10: memref<10240x128xf32, #tpu.memory_space<vmem_shared>>, %arg11: memref<!tpu.dma_semaphore, #tpu.memory_space<semaphore_mem>>, %arg12: memref<!tpu.dma_semaphore, #tpu.memory_space<semaphore_mem>>) attributes {dimension_semantics = [#tpu.dimension_semantics<core_parallel>, #tpu.dimension_semantics<subcore_parallel>], iteration_bounds = array<i64: 2, 16>, scalar_prefetch = 0 : i64, scratch_operands = 6 : i64, tpu.core_type = #tpu.core_type<sc_vector_subcore>, window_params = [{transform_indices = #map}, {transform_indices = #map}, {transform_indices = #map}, {transform_indices = #map}, {transform_indices = #map1}]} {
    %mul3A = arith.constant 640 : i32
    %mul3A_0 = arith.muli %arg1, %mul3A : i32
    "tpu.region"() ({
      %run_scoped3A = tpu.sem_alloc : memref<!tpu.dma_semaphore, #tpu.memory_space<semaphore_mem>>
      %dma_start3A = arith.constant 0 : i32
      %dma_start3A_17 = tpu.memref_slice %arg10[%mul3A_0, %dma_start3A] : memref<10240x128xf32, #tpu.memory_space<vmem_shared>> -> memref<640x128xf32, #tpu.memory_space<vmem_shared>>
      tpu.enqueue_dma source(%arg5 : memref<640x128xf32, #tpu.memory_space<hbm>>) target(%dma_start3A_17 : memref<640x128xf32, #tpu.memory_space<vmem_shared>>) target_semaphore(%run_scoped3A : memref<!tpu.dma_semaphore, #tpu.memory_space<semaphore_mem>>)
      %dma_wait3A = arith.constant 0 : i32
      %dma_wait3A_18 = tpu.memref_slice %arg10[%mul3A_0, %dma_wait3A] : memref<10240x128xf32, #tpu.memory_space<vmem_shared>> -> memref<640x128xf32, #tpu.memory_space<vmem_shared>>
      tpu.wait_dma2 semaphore(%run_scoped3A : memref<!tpu.dma_semaphore, #tpu.memory_space<semaphore_mem>>) src(%arg5 : memref<640x128xf32, #tpu.memory_space<hbm>>) dst(%dma_wait3A_18 : memref<640x128xf32, #tpu.memory_space<vmem_shared>>)
      tpu.yield
    }) : () -> ()
    %mul3A_1 = arith.constant 16 : i32
    %mul3A_2 = arith.muli %arg0, %mul3A_1 : i32
    %add3A = arith.addi %mul3A_2, %arg1 : i32
    %mul3A_3 = arith.constant 80 : i32
    %mul3A_4 = arith.muli %add3A, %mul3A_3 : i32
    %barrier3A = arith.constant 0 : index
    tpu.barrier barrier_id(%barrier3A)
    %scan3A = arith.constant 0 : i32
    %scan3A_5 = arith.constant 0 : i32
    %scan3A_6 = arith.constant 1 : i32
    %scan3A_7 = arith.constant 0 : i32
    %scan3A_8 = arith.constant 2 : i32
    %scan3A_9 = arith.addi %scan3A_7, %scan3A_8 : i32
    %scan3A_10 = arith.constant 1 : i32
    scf.for %scan3A_17 = %scan3A_7 to %scan3A_9 step %scan3A_10  : i32 {
      %mul3A_18 = arith.constant 40 : i32
      %mul3A_19 = arith.muli %scan3A_17, %mul3A_18 : i32
      %add3A_20 = arith.addi %mul3A_4, %mul3A_19 : i32
      "tpu.region"() ({
        %run_scoped3A = tpu.sem_alloc : memref<!tpu.dma_semaphore, #tpu.memory_space<semaphore_mem>>
        %dma_start3A_48 = arith.constant 0 : i32
        %dma_start3A_49 = tpu.memref_slice %arg2[%add3A_20, %dma_start3A_48] : memref<2560x128xi32, #tpu.memory_space<hbm>> -> memref<40x128xi32, #tpu.memory_space<hbm>>
        %dma_start3A_50 = arith.constant 0 : i32
        %dma_start3A_51 = tpu.memref_slice %arg2[%add3A_20, %dma_start3A_50] : memref<2560x128xi32, #tpu.memory_space<hbm>> -> memref<40x128xi32, #tpu.memory_space<hbm>>
        tpu.enqueue_dma source(%dma_start3A_51 : memref<40x128xi32, #tpu.memory_space<hbm>>) target(%arg7 : memref<40x128xi32, #tpu.memory_space<vmem>>) target_semaphore(%run_scoped3A : memref<!tpu.dma_semaphore, #tpu.memory_space<semaphore_mem>>)
        %dma_wait3A = arith.constant 0 : i32
        %dma_wait3A_52 = tpu.memref_slice %arg2[%add3A_20, %dma_wait3A] : memref<2560x128xi32, #tpu.memory_space<hbm>> -> memref<40x128xi32, #tpu.memory_space<hbm>>
        %dma_wait3A_53 = arith.constant 0 : i32
        %dma_wait3A_54 = tpu.memref_slice %arg2[%add3A_20, %dma_wait3A_53] : memref<2560x128xi32, #tpu.memory_space<hbm>> -> memref<40x128xi32, #tpu.memory_space<hbm>>
        tpu.wait_dma2 semaphore(%run_scoped3A : memref<!tpu.dma_semaphore, #tpu.memory_space<semaphore_mem>>) src(%dma_wait3A_54 : memref<40x128xi32, #tpu.memory_space<hbm>>) dst(%arg7 : memref<40x128xi32, #tpu.memory_space<vmem>>)
        tpu.yield
      }) : () -> ()
      "tpu.region"() ({
        %run_scoped3A = tpu.sem_alloc : memref<!tpu.dma_semaphore, #tpu.memory_space<semaphore_mem>>
        %dma_start3A_48 = arith.constant 0 : i32
        %dma_start3A_49 = tpu.memref_slice %arg3[%add3A_20, %dma_start3A_48] : memref<2560x128xi32, #tpu.memory_space<hbm>> -> memref<40x128xi32, #tpu.memory_space<hbm>>
        %dma_start3A_50 = arith.constant 0 : i32
        %dma_start3A_51 = tpu.memref_slice %arg3[%add3A_20, %dma_start3A_50] : memref<2560x128xi32, #tpu.memory_space<hbm>> -> memref<40x128xi32, #tpu.memory_space<hbm>>
        tpu.enqueue_dma source(%dma_start3A_51 : memref<40x128xi32, #tpu.memory_space<hbm>>) target(%arg8 : memref<40x128xi32, #tpu.memory_space<vmem>>) target_semaphore(%run_scoped3A : memref<!tpu.dma_semaphore, #tpu.memory_space<semaphore_mem>>)
        %dma_wait3A = arith.constant 0 : i32
        %dma_wait3A_52 = tpu.memref_slice %arg3[%add3A_20, %dma_wait3A] : memref<2560x128xi32, #tpu.memory_space<hbm>> -> memref<40x128xi32, #tpu.memory_space<hbm>>
        %dma_wait3A_53 = arith.constant 0 : i32
        %dma_wait3A_54 = tpu.memref_slice %arg3[%add3A_20, %dma_wait3A_53] : memref<2560x128xi32, #tpu.memory_space<hbm>> -> memref<40x128xi32, #tpu.memory_space<hbm>>
        tpu.wait_dma2 semaphore(%run_scoped3A : memref<!tpu.dma_semaphore, #tpu.memory_space<semaphore_mem>>) src(%dma_wait3A_54 : memref<40x128xi32, #tpu.memory_space<hbm>>) dst(%arg8 : memref<40x128xi32, #tpu.memory_space<vmem>>)
        tpu.yield
      }) : () -> ()
      %dma_start3A = arith.constant 0 : i32
      %dma_start3A_21 = arith.constant 0 : i32
      %dma_start3A_22 = arith.constant 0 : i32
      %dma_start3A_23 = tpu.memref_slice %arg9[%scan3A_5, %dma_start3A_21, %dma_start3A_22] : memref<2x128x128xf32, #tpu.memory_space<vmem>> -> memref<1x128x128xf32, #tpu.memory_space<vmem>>
      %dma_start3A_24 = tpu.memref_squeeze %dma_start3A_23 : memref<1x128x128xf32, #tpu.memory_space<vmem>> -> memref<128x128xf32, #tpu.memory_space<vmem>>
      %dma_start3A_25 = arith.constant 0 : i32
      %dma_start3A_26 = tpu.memref_slice %arg7[%dma_start3A, %dma_start3A_25] : memref<40x128xi32, #tpu.memory_space<vmem>> -> memref<1x128xi32, #tpu.memory_space<vmem>>
      %dma_start3A_27 = tpu.memref_squeeze %dma_start3A_26 : memref<1x128xi32, #tpu.memory_space<vmem>> -> memref<128xi32, #tpu.memory_space<vmem>>
      %dma_start3A_28 = arith.constant 0 : i32
      %dma_start3A_29 = arith.constant 0 : i32
      %dma_start3A_30 = tpu.memref_slice %arg4[%dma_start3A_28, %dma_start3A_29] : memref<10240x128xf32, #tpu.memory_space<hbm>> -> memref<10240x128xf32, #tpu.memory_space<hbm>>
      tpu.enqueue_indirect_dma source(%dma_start3A_30 : memref<10240x128xf32, #tpu.memory_space<hbm>>) target(%dma_start3A_24 : memref<128x128xf32, #tpu.memory_space<vmem>>) offsets(%dma_start3A_27 : memref<128xi32, #tpu.memory_space<vmem>>) semaphore(%arg11 : memref<!tpu.dma_semaphore, #tpu.memory_space<semaphore_mem>>)
      %dma_start3A_31 = arith.constant 1 : i32
      %dma_start3A_32 = arith.constant 0 : i32
      %dma_start3A_33 = arith.constant 0 : i32
      %dma_start3A_34 = tpu.memref_slice %arg9[%scan3A_6, %dma_start3A_32, %dma_start3A_33] : memref<2x128x128xf32, #tpu.memory_space<vmem>> -> memref<1x128x128xf32, #tpu.memory_space<vmem>>
      %dma_start3A_35 = tpu.memref_squeeze %dma_start3A_34 : memref<1x128x128xf32, #tpu.memory_space<vmem>> -> memref<128x128xf32, #tpu.memory_space<vmem>>
      %dma_start3A_36 = arith.constant 0 : i32
      %dma_start3A_37 = tpu.memref_slice %arg7[%dma_start3A_31, %dma_start3A_36] : memref<40x128xi32, #tpu.memory_space<vmem>> -> memref<1x128xi32, #tpu.memory_space<vmem>>
      %dma_start3A_38 = tpu.memref_squeeze %dma_start3A_37 : memref<1x128xi32, #tpu.memory_space<vmem>> -> memref<128xi32, #tpu.memory_space<vmem>>
      %dma_start3A_39 = arith.constant 0 : i32
      %dma_start3A_40 = arith.constant 0 : i32
      %dma_start3A_41 = tpu.memref_slice %arg4[%dma_start3A_39, %dma_start3A_40] : memref<10240x128xf32, #tpu.memory_space<hbm>> -> memref<10240x128xf32, #tpu.memory_space<hbm>>
      tpu.enqueue_indirect_dma source(%dma_start3A_41 : memref<10240x128xf32, #tpu.memory_space<hbm>>) target(%dma_start3A_35 : memref<128x128xf32, #tpu.memory_space<vmem>>) offsets(%dma_start3A_38 : memref<128xi32, #tpu.memory_space<vmem>>) semaphore(%arg12 : memref<!tpu.dma_semaphore, #tpu.memory_space<semaphore_mem>>)
      %scan3A_42 = arith.constant 0 : i32
      %scan3A_43 = arith.constant 0 : i32
      %scan3A_44 = arith.constant 20 : i32
      %scan3A_45 = arith.addi %scan3A_43, %scan3A_44 : i32
      %scan3A_46 = arith.constant 1 : i32
      scf.for %scan3A_48 = %scan3A_43 to %scan3A_45 step %scan3A_46  : i32 {
        %mul3A_49 = arith.constant 2 : i32
        %mul3A_50 = arith.muli %scan3A_48, %mul3A_49 : i32
        %add3A_51 = arith.constant 0 : i32
        %add3A_52 = arith.addi %mul3A_50, %add3A_51 : i32
        %dma_wait3A = arith.constant 0 : i32
        %dma_wait3A_53 = arith.constant 0 : i32
        %dma_wait3A_54 = tpu.memref_slice %arg9[%scan3A_5, %dma_wait3A, %dma_wait3A_53] : memref<2x128x128xf32, #tpu.memory_space<vmem>> -> memref<1x128x128xf32, #tpu.memory_space<vmem>>
        %dma_wait3A_55 = tpu.memref_squeeze %dma_wait3A_54 : memref<1x128x128xf32, #tpu.memory_space<vmem>> -> memref<128x128xf32, #tpu.memory_space<vmem>>
        %dma_wait3A_56 = arith.constant 0 : i32
        %dma_wait3A_57 = tpu.memref_slice %arg7[%add3A_52, %dma_wait3A_56] : memref<40x128xi32, #tpu.memory_space<vmem>> -> memref<1x128xi32, #tpu.memory_space<vmem>>
        %dma_wait3A_58 = tpu.memref_squeeze %dma_wait3A_57 : memref<1x128xi32, #tpu.memory_space<vmem>> -> memref<128xi32, #tpu.memory_space<vmem>>
        %dma_wait3A_59 = arith.constant 0 : i32
        %dma_wait3A_60 = arith.constant 0 : i32
        %dma_wait3A_61 = tpu.memref_slice %arg4[%dma_wait3A_59, %dma_wait3A_60] : memref<10240x128xf32, #tpu.memory_space<hbm>> -> memref<10240x128xf32, #tpu.memory_space<hbm>>
        tpu.wait_indirect_dma semaphore(%arg11 : memref<!tpu.dma_semaphore, #tpu.memory_space<semaphore_mem>>) src(%dma_wait3A_61 : memref<10240x128xf32, #tpu.memory_space<hbm>>) dst(%dma_wait3A_55 : memref<128x128xf32, #tpu.memory_space<vmem>>)
        "tpu.region"() ({
          %run_scoped3A = tpu.sem_alloc : memref<!tpu.dma_semaphore, #tpu.memory_space<semaphore_mem>>
          %dma_start3A_87 = arith.constant 0 : i32
          %dma_start3A_88 = arith.constant 0 : i32
          %dma_start3A_89 = tpu.memref_slice %arg9[%scan3A_5, %dma_start3A_87, %dma_start3A_88] : memref<2x128x128xf32, #tpu.memory_space<vmem>> -> memref<1x128x128xf32, #tpu.memory_space<vmem>>
          %dma_start3A_90 = tpu.memref_squeeze %dma_start3A_89 : memref<1x128x128xf32, #tpu.memory_space<vmem>> -> memref<128x128xf32, #tpu.memory_space<vmem>>
          %dma_start3A_91 = arith.constant 0 : i32
          %dma_start3A_92 = tpu.memref_slice %arg8[%add3A_52, %dma_start3A_91] : memref<40x128xi32, #tpu.memory_space<vmem>> -> memref<1x128xi32, #tpu.memory_space<vmem>>
          %dma_start3A_93 = tpu.memref_squeeze %dma_start3A_92 : memref<1x128xi32, #tpu.memory_space<vmem>> -> memref<128xi32, #tpu.memory_space<vmem>>
          %dma_start3A_94 = arith.constant 0 : i32
          %dma_start3A_95 = arith.constant 0 : i32
          %dma_start3A_96 = tpu.memref_slice %arg10[%dma_start3A_94, %dma_start3A_95] : memref<10240x128xf32, #tpu.memory_space<vmem_shared>> -> memref<10240x128xf32, #tpu.memory_space<vmem_shared>>
          tpu.enqueue_indirect_dma source(%dma_start3A_90 : memref<128x128xf32, #tpu.memory_space<vmem>>) target(%dma_start3A_96 : memref<10240x128xf32, #tpu.memory_space<vmem_shared>>) offsets(%dma_start3A_93 : memref<128xi32, #tpu.memory_space<vmem>>) semaphore(%run_scoped3A : memref<!tpu.dma_semaphore, #tpu.memory_space<semaphore_mem>>) {add = true}
          %dma_wait3A_97 = arith.constant 0 : i32
          %dma_wait3A_98 = arith.constant 0 : i32
          %dma_wait3A_99 = tpu.memref_slice %arg9[%scan3A_5, %dma_wait3A_97, %dma_wait3A_98] : memref<2x128x128xf32, #tpu.memory_space<vmem>> -> memref<1x128x128xf32, #tpu.memory_space<vmem>>
          %dma_wait3A_100 = tpu.memref_squeeze %dma_wait3A_99 : memref<1x128x128xf32, #tpu.memory_space<vmem>> -> memref<128x128xf32, #tpu.memory_space<vmem>>
          %dma_wait3A_101 = arith.constant 0 : i32
          %dma_wait3A_102 = tpu.memref_slice %arg8[%add3A_52, %dma_wait3A_101] : memref<40x128xi32, #tpu.memory_space<vmem>> -> memref<1x128xi32, #tpu.memory_space<vmem>>
          %dma_wait3A_103 = tpu.memref_squeeze %dma_wait3A_102 : memref<1x128xi32, #tpu.memory_space<vmem>> -> memref<128xi32, #tpu.memory_space<vmem>>
          %dma_wait3A_104 = arith.constant 0 : i32
          %dma_wait3A_105 = arith.constant 0 : i32
          %dma_wait3A_106 = tpu.memref_slice %arg10[%dma_wait3A_104, %dma_wait3A_105] : memref<10240x128xf32, #tpu.memory_space<vmem_shared>> -> memref<10240x128xf32, #tpu.memory_space<vmem_shared>>
          tpu.wait_indirect_dma semaphore(%run_scoped3A : memref<!tpu.dma_semaphore, #tpu.memory_space<semaphore_mem>>) src(%dma_wait3A_100 : memref<128x128xf32, #tpu.memory_space<vmem>>) dst(%dma_wait3A_106 : memref<10240x128xf32, #tpu.memory_space<vmem_shared>>)
          tpu.yield
        }) : () -> ()
        %add3A_62 = arith.constant 2 : i32
        %add3A_63 = arith.addi %add3A_52, %add3A_62 : i32
        %lt3A = arith.constant 40 : i32
        %lt3A_64 = arith.cmpi slt, %add3A_63, %lt3A : i32
        %convert_element_type3A = arith.extui %lt3A_64 : i1 to i32
        %cond3A = arith.constant 0 : i32
        %cond3A_65 = arith.cmpi ne, %convert_element_type3A, %cond3A : i32
        scf.if %cond3A_65 {
          %add3A_87 = arith.constant 2 : i32
          %add3A_88 = arith.addi %add3A_52, %add3A_87 : i32
          %dma_start3A_89 = arith.constant 0 : i32
          %dma_start3A_90 = arith.constant 0 : i32
          %dma_start3A_91 = tpu.memref_slice %arg9[%scan3A_5, %dma_start3A_89, %dma_start3A_90] : memref<2x128x128xf32, #tpu.memory_space<vmem>> -> memref<1x128x128xf32, #tpu.memory_space<vmem>>
          %dma_start3A_92 = tpu.memref_squeeze %dma_start3A_91 : memref<1x128x128xf32, #tpu.memory_space<vmem>> -> memref<128x128xf32, #tpu.memory_space<vmem>>
          %dma_start3A_93 = arith.constant 0 : i32
          %dma_start3A_94 = tpu.memref_slice %arg7[%add3A_88, %dma_start3A_93] : memref<40x128xi32, #tpu.memory_space<vmem>> -> memref<1x128xi32, #tpu.memory_space<vmem>>
          %dma_start3A_95 = tpu.memref_squeeze %dma_start3A_94 : memref<1x128xi32, #tpu.memory_space<vmem>> -> memref<128xi32, #tpu.memory_space<vmem>>
          %dma_start3A_96 = arith.constant 0 : i32
          %dma_start3A_97 = arith.constant 0 : i32
          %dma_start3A_98 = tpu.memref_slice %arg4[%dma_start3A_96, %dma_start3A_97] : memref<10240x128xf32, #tpu.memory_space<hbm>> -> memref<10240x128xf32, #tpu.memory_space<hbm>>
          tpu.enqueue_indirect_dma source(%dma_start3A_98 : memref<10240x128xf32, #tpu.memory_space<hbm>>) target(%dma_start3A_92 : memref<128x128xf32, #tpu.memory_space<vmem>>) offsets(%dma_start3A_95 : memref<128xi32, #tpu.memory_space<vmem>>) semaphore(%arg11 : memref<!tpu.dma_semaphore, #tpu.memory_space<semaphore_mem>>)
        } else {
        }
        %mul3A_66 = arith.constant 2 : i32
        %mul3A_67 = arith.muli %scan3A_48, %mul3A_66 : i32
        %add3A_68 = arith.constant 1 : i32
        %add3A_69 = arith.addi %mul3A_67, %add3A_68 : i32
        %dma_wait3A_70 = arith.constant 0 : i32
        %dma_wait3A_71 = arith.constant 0 : i32
        %dma_wait3A_72 = tpu.memref_slice %arg9[%scan3A_6, %dma_wait3A_70, %dma_wait3A_71] : memref<2x128x128xf32, #tpu.memory_space<vmem>> -> memref<1x128x128xf32, #tpu.memory_space<vmem>>
        %dma_wait3A_73 = tpu.memref_squeeze %dma_wait3A_72 : memref<1x128x128xf32, #tpu.memory_space<vmem>> -> memref<128x128xf32, #tpu.memory_space<vmem>>
        %dma_wait3A_74 = arith.constant 0 : i32
        %dma_wait3A_75 = tpu.memref_slice %arg7[%add3A_69, %dma_wait3A_74] : memref<40x128xi32, #tpu.memory_space<vmem>> -> memref<1x128xi32, #tpu.memory_space<vmem>>
        %dma_wait3A_76 = tpu.memref_squeeze %dma_wait3A_75 : memref<1x128xi32, #tpu.memory_space<vmem>> -> memref<128xi32, #tpu.memory_space<vmem>>
        %dma_wait3A_77 = arith.constant 0 : i32
        %dma_wait3A_78 = arith.constant 0 : i32
        %dma_wait3A_79 = tpu.memref_slice %arg4[%dma_wait3A_77, %dma_wait3A_78] : memref<10240x128xf32, #tpu.memory_space<hbm>> -> memref<10240x128xf32, #tpu.memory_space<hbm>>
        tpu.wait_indirect_dma semaphore(%arg12 : memref<!tpu.dma_semaphore, #tpu.memory_space<semaphore_mem>>) src(%dma_wait3A_79 : memref<10240x128xf32, #tpu.memory_space<hbm>>) dst(%dma_wait3A_73 : memref<128x128xf32, #tpu.memory_space<vmem>>)
        "tpu.region"() ({
          %run_scoped3A = tpu.sem_alloc : memref<!tpu.dma_semaphore, #tpu.memory_space<semaphore_mem>>
          %dma_start3A_87 = arith.constant 0 : i32
          %dma_start3A_88 = arith.constant 0 : i32
          %dma_start3A_89 = tpu.memref_slice %arg9[%scan3A_6, %dma_start3A_87, %dma_start3A_88] : memref<2x128x128xf32, #tpu.memory_space<vmem>> -> memref<1x128x128xf32, #tpu.memory_space<vmem>>
          %dma_start3A_90 = tpu.memref_squeeze %dma_start3A_89 : memref<1x128x128xf32, #tpu.memory_space<vmem>> -> memref<128x128xf32, #tpu.memory_space<vmem>>
          %dma_start3A_91 = arith.constant 0 : i32
          %dma_start3A_92 = tpu.memref_slice %arg8[%add3A_69, %dma_start3A_91] : memref<40x128xi32, #tpu.memory_space<vmem>> -> memref<1x128xi32, #tpu.memory_space<vmem>>
          %dma_start3A_93 = tpu.memref_squeeze %dma_start3A_92 : memref<1x128xi32, #tpu.memory_space<vmem>> -> memref<128xi32, #tpu.memory_space<vmem>>
          %dma_start3A_94 = arith.constant 0 : i32
          %dma_start3A_95 = arith.constant 0 : i32
          %dma_start3A_96 = tpu.memref_slice %arg10[%dma_start3A_94, %dma_start3A_95] : memref<10240x128xf32, #tpu.memory_space<vmem_shared>> -> memref<10240x128xf32, #tpu.memory_space<vmem_shared>>
          tpu.enqueue_indirect_dma source(%dma_start3A_90 : memref<128x128xf32, #tpu.memory_space<vmem>>) target(%dma_start3A_96 : memref<10240x128xf32, #tpu.memory_space<vmem_shared>>) offsets(%dma_start3A_93 : memref<128xi32, #tpu.memory_space<vmem>>) semaphore(%run_scoped3A : memref<!tpu.dma_semaphore, #tpu.memory_space<semaphore_mem>>) {add = true}
          %dma_wait3A_97 = arith.constant 0 : i32
          %dma_wait3A_98 = arith.constant 0 : i32
          %dma_wait3A_99 = tpu.memref_slice %arg9[%scan3A_6, %dma_wait3A_97, %dma_wait3A_98] : memref<2x128x128xf32, #tpu.memory_space<vmem>> -> memref<1x128x128xf32, #tpu.memory_space<vmem>>
          %dma_wait3A_100 = tpu.memref_squeeze %dma_wait3A_99 : memref<1x128x128xf32, #tpu.memory_space<vmem>> -> memref<128x128xf32, #tpu.memory_space<vmem>>
          %dma_wait3A_101 = arith.constant 0 : i32
          %dma_wait3A_102 = tpu.memref_slice %arg8[%add3A_69, %dma_wait3A_101] : memref<40x128xi32, #tpu.memory_space<vmem>> -> memref<1x128xi32, #tpu.memory_space<vmem>>
          %dma_wait3A_103 = tpu.memref_squeeze %dma_wait3A_102 : memref<1x128xi32, #tpu.memory_space<vmem>> -> memref<128xi32, #tpu.memory_space<vmem>>
          %dma_wait3A_104 = arith.constant 0 : i32
          %dma_wait3A_105 = arith.constant 0 : i32
          %dma_wait3A_106 = tpu.memref_slice %arg10[%dma_wait3A_104, %dma_wait3A_105] : memref<10240x128xf32, #tpu.memory_space<vmem_shared>> -> memref<10240x128xf32, #tpu.memory_space<vmem_shared>>
          tpu.wait_indirect_dma semaphore(%run_scoped3A : memref<!tpu.dma_semaphore, #tpu.memory_space<semaphore_mem>>) src(%dma_wait3A_100 : memref<128x128xf32, #tpu.memory_space<vmem>>) dst(%dma_wait3A_106 : memref<10240x128xf32, #tpu.memory_space<vmem_shared>>)
          tpu.yield
        }) : () -> ()
        %add3A_80 = arith.constant 2 : i32
        %add3A_81 = arith.addi %add3A_69, %add3A_80 : i32
        %lt3A_82 = arith.constant 40 : i32
        %lt3A_83 = arith.cmpi slt, %add3A_81, %lt3A_82 : i32
        %convert_element_type3A_84 = arith.extui %lt3A_83 : i1 to i32
        %cond3A_85 = arith.constant 0 : i32
        %cond3A_86 = arith.cmpi ne, %convert_element_type3A_84, %cond3A_85 : i32
        scf.if %cond3A_86 {
          %add3A_87 = arith.constant 2 : i32
          %add3A_88 = arith.addi %add3A_69, %add3A_87 : i32
          %dma_start3A_89 = arith.constant 0 : i32
          %dma_start3A_90 = arith.constant 0 : i32
          %dma_start3A_91 = tpu.memref_slice %arg9[%scan3A_6, %dma_start3A_89, %dma_start3A_90] : memref<2x128x128xf32, #tpu.memory_space<vmem>> -> memref<1x128x128xf32, #tpu.memory_space<vmem>>
          %dma_start3A_92 = tpu.memref_squeeze %dma_start3A_91 : memref<1x128x128xf32, #tpu.memory_space<vmem>> -> memref<128x128xf32, #tpu.memory_space<vmem>>
          %dma_start3A_93 = arith.constant 0 : i32
          %dma_start3A_94 = tpu.memref_slice %arg7[%add3A_88, %dma_start3A_93] : memref<40x128xi32, #tpu.memory_space<vmem>> -> memref<1x128xi32, #tpu.memory_space<vmem>>
          %dma_start3A_95 = tpu.memref_squeeze %dma_start3A_94 : memref<1x128xi32, #tpu.memory_space<vmem>> -> memref<128xi32, #tpu.memory_space<vmem>>
          %dma_start3A_96 = arith.constant 0 : i32
          %dma_start3A_97 = arith.constant 0 : i32
          %dma_start3A_98 = tpu.memref_slice %arg4[%dma_start3A_96, %dma_start3A_97] : memref<10240x128xf32, #tpu.memory_space<hbm>> -> memref<10240x128xf32, #tpu.memory_space<hbm>>
          tpu.enqueue_indirect_dma source(%dma_start3A_98 : memref<10240x128xf32, #tpu.memory_space<hbm>>) target(%dma_start3A_92 : memref<128x128xf32, #tpu.memory_space<vmem>>) offsets(%dma_start3A_95 : memref<128xi32, #tpu.memory_space<vmem>>) semaphore(%arg12 : memref<!tpu.dma_semaphore, #tpu.memory_space<semaphore_mem>>)
        } else {
        }
      }
      %scan3A_47 = arith.constant 20 : i32
    }
    %scan3A_11 = arith.constant 2 : i32
    %barrier3A_12 = arith.constant 0 : index
    tpu.barrier barrier_id(%barrier3A_12)
    %mul3A_13 = arith.constant 640 : i32
    %mul3A_14 = arith.muli %arg1, %mul3A_13 : i32
    %mul3A_15 = arith.constant 640 : i32
    %mul3A_16 = arith.muli %arg1, %mul3A_15 : i32
    "tpu.region"() ({
      %run_scoped3A = tpu.sem_alloc : memref<!tpu.dma_semaphore, #tpu.memory_space<semaphore_mem>>
      %dma_start3A = arith.constant 0 : i32
      %dma_start3A_17 = tpu.memref_slice %arg6[%arg0, %mul3A_16, %dma_start3A] : memref<2x10240x128xf32, #tpu.memory_space<hbm>> -> memref<1x640x128xf32, #tpu.memory_space<hbm>>
      %dma_start3A_18 = tpu.memref_squeeze %dma_start3A_17 : memref<1x640x128xf32, #tpu.memory_space<hbm>> -> memref<640x128xf32, #tpu.memory_space<hbm>>
      %dma_start3A_19 = arith.constant 0 : i32
      %dma_start3A_20 = tpu.memref_slice %arg10[%mul3A_14, %dma_start3A_19] : memref<10240x128xf32, #tpu.memory_space<vmem_shared>> -> memref<640x128xf32, #tpu.memory_space<vmem_shared>>
      tpu.enqueue_dma source(%dma_start3A_20 : memref<640x128xf32, #tpu.memory_space<vmem_shared>>) target(%dma_start3A_18 : memref<640x128xf32, #tpu.memory_space<hbm>>) target_semaphore(%run_scoped3A : memref<!tpu.dma_semaphore, #tpu.memory_space<semaphore_mem>>)
      %dma_wait3A = arith.constant 0 : i32
      %dma_wait3A_21 = tpu.memref_slice %arg6[%arg0, %mul3A_16, %dma_wait3A] : memref<2x10240x128xf32, #tpu.memory_space<hbm>> -> memref<1x640x128xf32, #tpu.memory_space<hbm>>
      %dma_wait3A_22 = tpu.memref_squeeze %dma_wait3A_21 : memref<1x640x128xf32, #tpu.memory_space<hbm>> -> memref<640x128xf32, #tpu.memory_space<hbm>>
      %dma_wait3A_23 = arith.constant 0 : i32
      %dma_wait3A_24 = tpu.memref_slice %arg10[%mul3A_14, %dma_wait3A_23] : memref<10240x128xf32, #tpu.memory_space<vmem_shared>> -> memref<640x128xf32, #tpu.memory_space<vmem_shared>>
      tpu.wait_dma2 semaphore(%run_scoped3A : memref<!tpu.dma_semaphore, #tpu.memory_space<semaphore_mem>>) src(%dma_wait3A_24 : memref<640x128xf32, #tpu.memory_space<vmem_shared>>) dst(%dma_wait3A_22 : memref<640x128xf32, #tpu.memory_space<hbm>>)
      tpu.yield
    }) : () -> ()
    return
  }
}

#map = affine_map<(d0, d1) -> (0, 0)>
#map1 = affine_map<(d0, d1) -> (0, 0, 0)>
module attributes {stable_mosaic.version = 14 : i64} {
  func.func @hist(%arg0: i32, %arg1: i32, %arg2: memref<2560x128xi32, #tpu.memory_space<hbm>>, %arg3: memref<128x128xf32, #tpu.memory_space<hbm>>, %arg4: memref<640x128xf32, #tpu.memory_space<hbm>>, %arg5: memref<2x10240x128xf32, #tpu.memory_space<hbm>>, %arg6: memref<80x128xi32, #tpu.memory_space<vmem>>, %arg7: memref<128x128xf32, #tpu.memory_space<vmem>>, %arg8: memref<10240x128xf32, #tpu.memory_space<vmem_shared>>) attributes {dimension_semantics = [#tpu.dimension_semantics<core_parallel>, #tpu.dimension_semantics<subcore_parallel>], iteration_bounds = array<i64: 2, 16>, scalar_prefetch = 0 : i64, scratch_operands = 3 : i64, tpu.core_type = #tpu.core_type<sc_vector_subcore>, window_params = [{transform_indices = #map}, {transform_indices = #map}, {transform_indices = #map}, {transform_indices = #map1}]} {
    %mul3A = arith.constant 640 : i32
    %mul3A_0 = arith.muli %arg1, %mul3A : i32
    "tpu.region"() ({
      %run_scoped3A = tpu.sem_alloc : memref<!tpu.dma_semaphore, #tpu.memory_space<semaphore_mem>>
      %dma_start3A = arith.constant 0 : i32
      %dma_start3A_15 = tpu.memref_slice %arg8[%mul3A_0, %dma_start3A] : memref<10240x128xf32, #tpu.memory_space<vmem_shared>> -> memref<640x128xf32, #tpu.memory_space<vmem_shared>>
      tpu.enqueue_dma source(%arg4 : memref<640x128xf32, #tpu.memory_space<hbm>>) target(%dma_start3A_15 : memref<640x128xf32, #tpu.memory_space<vmem_shared>>) target_semaphore(%run_scoped3A : memref<!tpu.dma_semaphore, #tpu.memory_space<semaphore_mem>>)
      %dma_wait3A = arith.constant 0 : i32
      %dma_wait3A_16 = tpu.memref_slice %arg8[%mul3A_0, %dma_wait3A] : memref<10240x128xf32, #tpu.memory_space<vmem_shared>> -> memref<640x128xf32, #tpu.memory_space<vmem_shared>>
      tpu.wait_dma2 semaphore(%run_scoped3A : memref<!tpu.dma_semaphore, #tpu.memory_space<semaphore_mem>>) src(%arg4 : memref<640x128xf32, #tpu.memory_space<hbm>>) dst(%dma_wait3A_16 : memref<640x128xf32, #tpu.memory_space<vmem_shared>>)
      tpu.yield
    }) : () -> ()
    "tpu.region"() ({
      %run_scoped3A = tpu.sem_alloc : memref<!tpu.dma_semaphore, #tpu.memory_space<semaphore_mem>>
      tpu.enqueue_dma source(%arg3 : memref<128x128xf32, #tpu.memory_space<hbm>>) target(%arg7 : memref<128x128xf32, #tpu.memory_space<vmem>>) target_semaphore(%run_scoped3A : memref<!tpu.dma_semaphore, #tpu.memory_space<semaphore_mem>>)
      tpu.wait_dma2 semaphore(%run_scoped3A : memref<!tpu.dma_semaphore, #tpu.memory_space<semaphore_mem>>) src(%arg3 : memref<128x128xf32, #tpu.memory_space<hbm>>) dst(%arg7 : memref<128x128xf32, #tpu.memory_space<vmem>>)
      tpu.yield
    }) : () -> ()
    %mul3A_1 = arith.constant 16 : i32
    %mul3A_2 = arith.muli %arg0, %mul3A_1 : i32
    %add3A = arith.addi %mul3A_2, %arg1 : i32
    %mul3A_3 = arith.constant 80 : i32
    %mul3A_4 = arith.muli %add3A, %mul3A_3 : i32
    "tpu.region"() ({
      %run_scoped3A = tpu.sem_alloc : memref<!tpu.dma_semaphore, #tpu.memory_space<semaphore_mem>>
      %dma_start3A = arith.constant 0 : i32
      %dma_start3A_15 = tpu.memref_slice %arg2[%mul3A_4, %dma_start3A] : memref<2560x128xi32, #tpu.memory_space<hbm>> -> memref<80x128xi32, #tpu.memory_space<hbm>>
      %dma_start3A_16 = arith.constant 0 : i32
      %dma_start3A_17 = tpu.memref_slice %arg2[%mul3A_4, %dma_start3A_16] : memref<2560x128xi32, #tpu.memory_space<hbm>> -> memref<80x128xi32, #tpu.memory_space<hbm>>
      tpu.enqueue_dma source(%dma_start3A_17 : memref<80x128xi32, #tpu.memory_space<hbm>>) target(%arg6 : memref<80x128xi32, #tpu.memory_space<vmem>>) target_semaphore(%run_scoped3A : memref<!tpu.dma_semaphore, #tpu.memory_space<semaphore_mem>>)
      %dma_wait3A = arith.constant 0 : i32
      %dma_wait3A_18 = tpu.memref_slice %arg2[%mul3A_4, %dma_wait3A] : memref<2560x128xi32, #tpu.memory_space<hbm>> -> memref<80x128xi32, #tpu.memory_space<hbm>>
      %dma_wait3A_19 = arith.constant 0 : i32
      %dma_wait3A_20 = tpu.memref_slice %arg2[%mul3A_4, %dma_wait3A_19] : memref<2560x128xi32, #tpu.memory_space<hbm>> -> memref<80x128xi32, #tpu.memory_space<hbm>>
      tpu.wait_dma2 semaphore(%run_scoped3A : memref<!tpu.dma_semaphore, #tpu.memory_space<semaphore_mem>>) src(%dma_wait3A_20 : memref<80x128xi32, #tpu.memory_space<hbm>>) dst(%arg6 : memref<80x128xi32, #tpu.memory_space<vmem>>)
      tpu.yield
    }) : () -> ()
    %barrier3A = arith.constant 0 : index
    tpu.barrier barrier_id(%barrier3A)
    %scan3A = arith.constant 0 : i32
    %scan3A_5 = arith.constant 0 : i32
    %scan3A_6 = arith.constant 80 : i32
    %scan3A_7 = arith.addi %scan3A_5, %scan3A_6 : i32
    %scan3A_8 = arith.constant 1 : i32
    scf.for %scan3A_15 = %scan3A_5 to %scan3A_7 step %scan3A_8  : i32 {
      "tpu.region"() ({
        %run_scoped3A = tpu.sem_alloc : memref<!tpu.dma_semaphore, #tpu.memory_space<semaphore_mem>>
        %dma_start3A = arith.constant 0 : i32
        %dma_start3A_16 = tpu.memref_slice %arg6[%scan3A_15, %dma_start3A] : memref<80x128xi32, #tpu.memory_space<vmem>> -> memref<1x128xi32, #tpu.memory_space<vmem>>
        %dma_start3A_17 = tpu.memref_squeeze %dma_start3A_16 : memref<1x128xi32, #tpu.memory_space<vmem>> -> memref<128xi32, #tpu.memory_space<vmem>>
        %dma_start3A_18 = arith.constant 0 : i32
        %dma_start3A_19 = arith.constant 0 : i32
        %dma_start3A_20 = tpu.memref_slice %arg8[%dma_start3A_18, %dma_start3A_19] : memref<10240x128xf32, #tpu.memory_space<vmem_shared>> -> memref<10240x128xf32, #tpu.memory_space<vmem_shared>>
        tpu.enqueue_indirect_dma source(%arg7 : memref<128x128xf32, #tpu.memory_space<vmem>>) target(%dma_start3A_20 : memref<10240x128xf32, #tpu.memory_space<vmem_shared>>) offsets(%dma_start3A_17 : memref<128xi32, #tpu.memory_space<vmem>>) semaphore(%run_scoped3A : memref<!tpu.dma_semaphore, #tpu.memory_space<semaphore_mem>>) {add = true}
        %dma_wait3A = arith.constant 0 : i32
        %dma_wait3A_21 = tpu.memref_slice %arg6[%scan3A_15, %dma_wait3A] : memref<80x128xi32, #tpu.memory_space<vmem>> -> memref<1x128xi32, #tpu.memory_space<vmem>>
        %dma_wait3A_22 = tpu.memref_squeeze %dma_wait3A_21 : memref<1x128xi32, #tpu.memory_space<vmem>> -> memref<128xi32, #tpu.memory_space<vmem>>
        %dma_wait3A_23 = arith.constant 0 : i32
        %dma_wait3A_24 = arith.constant 0 : i32
        %dma_wait3A_25 = tpu.memref_slice %arg8[%dma_wait3A_23, %dma_wait3A_24] : memref<10240x128xf32, #tpu.memory_space<vmem_shared>> -> memref<10240x128xf32, #tpu.memory_space<vmem_shared>>
        tpu.wait_indirect_dma semaphore(%run_scoped3A : memref<!tpu.dma_semaphore, #tpu.memory_space<semaphore_mem>>) src(%arg7 : memref<128x128xf32, #tpu.memory_space<vmem>>) dst(%dma_wait3A_25 : memref<10240x128xf32, #tpu.memory_space<vmem_shared>>)
        tpu.yield
      }) : () -> ()
    }
    %scan3A_9 = arith.constant 80 : i32
    %barrier3A_10 = arith.constant 0 : index
    tpu.barrier barrier_id(%barrier3A_10)
    %mul3A_11 = arith.constant 640 : i32
    %mul3A_12 = arith.muli %arg1, %mul3A_11 : i32
    %mul3A_13 = arith.constant 640 : i32
    %mul3A_14 = arith.muli %arg1, %mul3A_13 : i32
    "tpu.region"() ({
      %run_scoped3A = tpu.sem_alloc : memref<!tpu.dma_semaphore, #tpu.memory_space<semaphore_mem>>
      %dma_start3A = arith.constant 0 : i32
      %dma_start3A_15 = tpu.memref_slice %arg5[%arg0, %mul3A_14, %dma_start3A] : memref<2x10240x128xf32, #tpu.memory_space<hbm>> -> memref<1x640x128xf32, #tpu.memory_space<hbm>>
      %dma_start3A_16 = tpu.memref_squeeze %dma_start3A_15 : memref<1x640x128xf32, #tpu.memory_space<hbm>> -> memref<640x128xf32, #tpu.memory_space<hbm>>
      %dma_start3A_17 = arith.constant 0 : i32
      %dma_start3A_18 = tpu.memref_slice %arg8[%mul3A_12, %dma_start3A_17] : memref<10240x128xf32, #tpu.memory_space<vmem_shared>> -> memref<640x128xf32, #tpu.memory_space<vmem_shared>>
      tpu.enqueue_dma source(%dma_start3A_18 : memref<640x128xf32, #tpu.memory_space<vmem_shared>>) target(%dma_start3A_16 : memref<640x128xf32, #tpu.memory_space<hbm>>) target_semaphore(%run_scoped3A : memref<!tpu.dma_semaphore, #tpu.memory_space<semaphore_mem>>)
      %dma_wait3A = arith.constant 0 : i32
      %dma_wait3A_19 = tpu.memref_slice %arg5[%arg0, %mul3A_14, %dma_wait3A] : memref<2x10240x128xf32, #tpu.memory_space<hbm>> -> memref<1x640x128xf32, #tpu.memory_space<hbm>>
      %dma_wait3A_20 = tpu.memref_squeeze %dma_wait3A_19 : memref<1x640x128xf32, #tpu.memory_space<hbm>> -> memref<640x128xf32, #tpu.memory_space<hbm>>
      %dma_wait3A_21 = arith.constant 0 : i32
      %dma_wait3A_22 = tpu.memref_slice %arg8[%mul3A_12, %dma_wait3A_21] : memref<10240x128xf32, #tpu.memory_space<vmem_shared>> -> memref<640x128xf32, #tpu.memory_space<vmem_shared>>
      tpu.wait_dma2 semaphore(%run_scoped3A : memref<!tpu.dma_semaphore, #tpu.memory_space<semaphore_mem>>) src(%dma_wait3A_22 : memref<640x128xf32, #tpu.memory_space<vmem_shared>>) dst(%dma_wait3A_20 : memref<640x128xf32, #tpu.memory_space<hbm>>)
      tpu.yield
    }) : () -> ()
    return
  }
}

#map = affine_map<(d0, d1) -> (0, 0)>
#map1 = affine_map<(d0, d1) -> (0, 0, 0)>
module attributes {stable_mosaic.version = 14 : i64} {
  func.func @prop(%arg0: i32, %arg1: i32, %arg2: memref<2560x128xi32, #tpu.memory_space<hbm>>, %arg3: memref<2560x128xi32, #tpu.memory_space<hbm>>, %arg4: memref<10240x128xf32, #tpu.memory_space<hbm>>, %arg5: memref<640x128xf32, #tpu.memory_space<hbm>>, %arg6: memref<2x10240x128xf32, #tpu.memory_space<hbm>>, %arg7: memref<40x128xi32, #tpu.memory_space<vmem>>, %arg8: memref<40x128xi32, #tpu.memory_space<vmem>>, %arg9: memref<2x128x128xf32, #tpu.memory_space<vmem>>, %arg10: memref<10240x128xf32, #tpu.memory_space<vmem_shared>>, %arg11: memref<!tpu.dma_semaphore, #tpu.memory_space<semaphore_mem>>, %arg12: memref<!tpu.dma_semaphore, #tpu.memory_space<semaphore_mem>>) attributes {dimension_semantics = [#tpu.dimension_semantics<core_parallel>, #tpu.dimension_semantics<subcore_parallel>], iteration_bounds = array<i64: 2, 16>, scalar_prefetch = 0 : i64, scratch_operands = 6 : i64, tpu.core_type = #tpu.core_type<sc_vector_subcore>, window_params = [{transform_indices = #map}, {transform_indices = #map}, {transform_indices = #map}, {transform_indices = #map}, {transform_indices = #map1}]} {
    %mul3A = arith.constant 640 : i32
    %mul3A_0 = arith.muli %arg1, %mul3A : i32
    "tpu.region"() ({
      %run_scoped3A = tpu.sem_alloc : memref<!tpu.dma_semaphore, #tpu.memory_space<semaphore_mem>>
      %dma_start3A = arith.constant 0 : i32
      %dma_start3A_17 = tpu.memref_slice %arg10[%mul3A_0, %dma_start3A] : memref<10240x128xf32, #tpu.memory_space<vmem_shared>> -> memref<640x128xf32, #tpu.memory_space<vmem_shared>>
      tpu.enqueue_dma source(%arg5 : memref<640x128xf32, #tpu.memory_space<hbm>>) target(%dma_start3A_17 : memref<640x128xf32, #tpu.memory_space<vmem_shared>>) target_semaphore(%run_scoped3A : memref<!tpu.dma_semaphore, #tpu.memory_space<semaphore_mem>>)
      %dma_wait3A = arith.constant 0 : i32
      %dma_wait3A_18 = tpu.memref_slice %arg10[%mul3A_0, %dma_wait3A] : memref<10240x128xf32, #tpu.memory_space<vmem_shared>> -> memref<640x128xf32, #tpu.memory_space<vmem_shared>>
      tpu.wait_dma2 semaphore(%run_scoped3A : memref<!tpu.dma_semaphore, #tpu.memory_space<semaphore_mem>>) src(%arg5 : memref<640x128xf32, #tpu.memory_space<hbm>>) dst(%dma_wait3A_18 : memref<640x128xf32, #tpu.memory_space<vmem_shared>>)
      tpu.yield
    }) : () -> ()
    %mul3A_1 = arith.constant 16 : i32
    %mul3A_2 = arith.muli %arg0, %mul3A_1 : i32
    %add3A = arith.addi %mul3A_2, %arg1 : i32
    %mul3A_3 = arith.constant 80 : i32
    %mul3A_4 = arith.muli %add3A, %mul3A_3 : i32
    %barrier3A = arith.constant 0 : index
    tpu.barrier barrier_id(%barrier3A)
    %scan3A = arith.constant 0 : i32
    %scan3A_5 = arith.constant 0 : i32
    %scan3A_6 = arith.constant 1 : i32
    %scan3A_7 = arith.constant 0 : i32
    %scan3A_8 = arith.constant 2 : i32
    %scan3A_9 = arith.addi %scan3A_7, %scan3A_8 : i32
    %scan3A_10 = arith.constant 1 : i32
    scf.for %scan3A_17 = %scan3A_7 to %scan3A_9 step %scan3A_10  : i32 {
      %mul3A_18 = arith.constant 40 : i32
      %mul3A_19 = arith.muli %scan3A_17, %mul3A_18 : i32
      %add3A_20 = arith.addi %mul3A_4, %mul3A_19 : i32
      "tpu.region"() ({
        %run_scoped3A = tpu.sem_alloc : memref<!tpu.dma_semaphore, #tpu.memory_space<semaphore_mem>>
        %dma_start3A_48 = arith.constant 0 : i32
        %dma_start3A_49 = tpu.memref_slice %arg2[%add3A_20, %dma_start3A_48] : memref<2560x128xi32, #tpu.memory_space<hbm>> -> memref<40x128xi32, #tpu.memory_space<hbm>>
        %dma_start3A_50 = arith.constant 0 : i32
        %dma_start3A_51 = tpu.memref_slice %arg2[%add3A_20, %dma_start3A_50] : memref<2560x128xi32, #tpu.memory_space<hbm>> -> memref<40x128xi32, #tpu.memory_space<hbm>>
        tpu.enqueue_dma source(%dma_start3A_51 : memref<40x128xi32, #tpu.memory_space<hbm>>) target(%arg7 : memref<40x128xi32, #tpu.memory_space<vmem>>) target_semaphore(%run_scoped3A : memref<!tpu.dma_semaphore, #tpu.memory_space<semaphore_mem>>)
        %dma_wait3A = arith.constant 0 : i32
        %dma_wait3A_52 = tpu.memref_slice %arg2[%add3A_20, %dma_wait3A] : memref<2560x128xi32, #tpu.memory_space<hbm>> -> memref<40x128xi32, #tpu.memory_space<hbm>>
        %dma_wait3A_53 = arith.constant 0 : i32
        %dma_wait3A_54 = tpu.memref_slice %arg2[%add3A_20, %dma_wait3A_53] : memref<2560x128xi32, #tpu.memory_space<hbm>> -> memref<40x128xi32, #tpu.memory_space<hbm>>
        tpu.wait_dma2 semaphore(%run_scoped3A : memref<!tpu.dma_semaphore, #tpu.memory_space<semaphore_mem>>) src(%dma_wait3A_54 : memref<40x128xi32, #tpu.memory_space<hbm>>) dst(%arg7 : memref<40x128xi32, #tpu.memory_space<vmem>>)
        tpu.yield
      }) : () -> ()
      "tpu.region"() ({
        %run_scoped3A = tpu.sem_alloc : memref<!tpu.dma_semaphore, #tpu.memory_space<semaphore_mem>>
        %dma_start3A_48 = arith.constant 0 : i32
        %dma_start3A_49 = tpu.memref_slice %arg3[%add3A_20, %dma_start3A_48] : memref<2560x128xi32, #tpu.memory_space<hbm>> -> memref<40x128xi32, #tpu.memory_space<hbm>>
        %dma_start3A_50 = arith.constant 0 : i32
        %dma_start3A_51 = tpu.memref_slice %arg3[%add3A_20, %dma_start3A_50] : memref<2560x128xi32, #tpu.memory_space<hbm>> -> memref<40x128xi32, #tpu.memory_space<hbm>>
        tpu.enqueue_dma source(%dma_start3A_51 : memref<40x128xi32, #tpu.memory_space<hbm>>) target(%arg8 : memref<40x128xi32, #tpu.memory_space<vmem>>) target_semaphore(%run_scoped3A : memref<!tpu.dma_semaphore, #tpu.memory_space<semaphore_mem>>)
        %dma_wait3A = arith.constant 0 : i32
        %dma_wait3A_52 = tpu.memref_slice %arg3[%add3A_20, %dma_wait3A] : memref<2560x128xi32, #tpu.memory_space<hbm>> -> memref<40x128xi32, #tpu.memory_space<hbm>>
        %dma_wait3A_53 = arith.constant 0 : i32
        %dma_wait3A_54 = tpu.memref_slice %arg3[%add3A_20, %dma_wait3A_53] : memref<2560x128xi32, #tpu.memory_space<hbm>> -> memref<40x128xi32, #tpu.memory_space<hbm>>
        tpu.wait_dma2 semaphore(%run_scoped3A : memref<!tpu.dma_semaphore, #tpu.memory_space<semaphore_mem>>) src(%dma_wait3A_54 : memref<40x128xi32, #tpu.memory_space<hbm>>) dst(%arg8 : memref<40x128xi32, #tpu.memory_space<vmem>>)
        tpu.yield
      }) : () -> ()
      %dma_start3A = arith.constant 0 : i32
      %dma_start3A_21 = arith.constant 0 : i32
      %dma_start3A_22 = arith.constant 0 : i32
      %dma_start3A_23 = tpu.memref_slice %arg9[%scan3A_5, %dma_start3A_21, %dma_start3A_22] : memref<2x128x128xf32, #tpu.memory_space<vmem>> -> memref<1x128x128xf32, #tpu.memory_space<vmem>>
      %dma_start3A_24 = tpu.memref_squeeze %dma_start3A_23 : memref<1x128x128xf32, #tpu.memory_space<vmem>> -> memref<128x128xf32, #tpu.memory_space<vmem>>
      %dma_start3A_25 = arith.constant 0 : i32
      %dma_start3A_26 = tpu.memref_slice %arg7[%dma_start3A, %dma_start3A_25] : memref<40x128xi32, #tpu.memory_space<vmem>> -> memref<1x128xi32, #tpu.memory_space<vmem>>
      %dma_start3A_27 = tpu.memref_squeeze %dma_start3A_26 : memref<1x128xi32, #tpu.memory_space<vmem>> -> memref<128xi32, #tpu.memory_space<vmem>>
      %dma_start3A_28 = arith.constant 0 : i32
      %dma_start3A_29 = arith.constant 0 : i32
      %dma_start3A_30 = tpu.memref_slice %arg4[%dma_start3A_28, %dma_start3A_29] : memref<10240x128xf32, #tpu.memory_space<hbm>> -> memref<10240x128xf32, #tpu.memory_space<hbm>>
      tpu.enqueue_indirect_dma source(%dma_start3A_30 : memref<10240x128xf32, #tpu.memory_space<hbm>>) target(%dma_start3A_24 : memref<128x128xf32, #tpu.memory_space<vmem>>) offsets(%dma_start3A_27 : memref<128xi32, #tpu.memory_space<vmem>>) semaphore(%arg11 : memref<!tpu.dma_semaphore, #tpu.memory_space<semaphore_mem>>)
      %dma_start3A_31 = arith.constant 1 : i32
      %dma_start3A_32 = arith.constant 0 : i32
      %dma_start3A_33 = arith.constant 0 : i32
      %dma_start3A_34 = tpu.memref_slice %arg9[%scan3A_6, %dma_start3A_32, %dma_start3A_33] : memref<2x128x128xf32, #tpu.memory_space<vmem>> -> memref<1x128x128xf32, #tpu.memory_space<vmem>>
      %dma_start3A_35 = tpu.memref_squeeze %dma_start3A_34 : memref<1x128x128xf32, #tpu.memory_space<vmem>> -> memref<128x128xf32, #tpu.memory_space<vmem>>
      %dma_start3A_36 = arith.constant 0 : i32
      %dma_start3A_37 = tpu.memref_slice %arg7[%dma_start3A_31, %dma_start3A_36] : memref<40x128xi32, #tpu.memory_space<vmem>> -> memref<1x128xi32, #tpu.memory_space<vmem>>
      %dma_start3A_38 = tpu.memref_squeeze %dma_start3A_37 : memref<1x128xi32, #tpu.memory_space<vmem>> -> memref<128xi32, #tpu.memory_space<vmem>>
      %dma_start3A_39 = arith.constant 0 : i32
      %dma_start3A_40 = arith.constant 0 : i32
      %dma_start3A_41 = tpu.memref_slice %arg4[%dma_start3A_39, %dma_start3A_40] : memref<10240x128xf32, #tpu.memory_space<hbm>> -> memref<10240x128xf32, #tpu.memory_space<hbm>>
      tpu.enqueue_indirect_dma source(%dma_start3A_41 : memref<10240x128xf32, #tpu.memory_space<hbm>>) target(%dma_start3A_35 : memref<128x128xf32, #tpu.memory_space<vmem>>) offsets(%dma_start3A_38 : memref<128xi32, #tpu.memory_space<vmem>>) semaphore(%arg12 : memref<!tpu.dma_semaphore, #tpu.memory_space<semaphore_mem>>)
      %scan3A_42 = arith.constant 0 : i32
      %scan3A_43 = arith.constant 0 : i32
      %scan3A_44 = arith.constant 20 : i32
      %scan3A_45 = arith.addi %scan3A_43, %scan3A_44 : i32
      %scan3A_46 = arith.constant 1 : i32
      scf.for %scan3A_48 = %scan3A_43 to %scan3A_45 step %scan3A_46  : i32 {
        %mul3A_49 = arith.constant 2 : i32
        %mul3A_50 = arith.muli %scan3A_48, %mul3A_49 : i32
        %add3A_51 = arith.constant 0 : i32
        %add3A_52 = arith.addi %mul3A_50, %add3A_51 : i32
        %dma_wait3A = arith.constant 0 : i32
        %dma_wait3A_53 = arith.constant 0 : i32
        %dma_wait3A_54 = tpu.memref_slice %arg9[%scan3A_5, %dma_wait3A, %dma_wait3A_53] : memref<2x128x128xf32, #tpu.memory_space<vmem>> -> memref<1x128x128xf32, #tpu.memory_space<vmem>>
        %dma_wait3A_55 = tpu.memref_squeeze %dma_wait3A_54 : memref<1x128x128xf32, #tpu.memory_space<vmem>> -> memref<128x128xf32, #tpu.memory_space<vmem>>
        %dma_wait3A_56 = arith.constant 0 : i32
        %dma_wait3A_57 = tpu.memref_slice %arg7[%add3A_52, %dma_wait3A_56] : memref<40x128xi32, #tpu.memory_space<vmem>> -> memref<1x128xi32, #tpu.memory_space<vmem>>
        %dma_wait3A_58 = tpu.memref_squeeze %dma_wait3A_57 : memref<1x128xi32, #tpu.memory_space<vmem>> -> memref<128xi32, #tpu.memory_space<vmem>>
        %dma_wait3A_59 = arith.constant 0 : i32
        %dma_wait3A_60 = arith.constant 0 : i32
        %dma_wait3A_61 = tpu.memref_slice %arg4[%dma_wait3A_59, %dma_wait3A_60] : memref<10240x128xf32, #tpu.memory_space<hbm>> -> memref<10240x128xf32, #tpu.memory_space<hbm>>
        tpu.wait_indirect_dma semaphore(%arg11 : memref<!tpu.dma_semaphore, #tpu.memory_space<semaphore_mem>>) src(%dma_wait3A_61 : memref<10240x128xf32, #tpu.memory_space<hbm>>) dst(%dma_wait3A_55 : memref<128x128xf32, #tpu.memory_space<vmem>>)
        "tpu.region"() ({
          %run_scoped3A = tpu.sem_alloc : memref<!tpu.dma_semaphore, #tpu.memory_space<semaphore_mem>>
          %dma_start3A_87 = arith.constant 0 : i32
          %dma_start3A_88 = arith.constant 0 : i32
          %dma_start3A_89 = tpu.memref_slice %arg9[%scan3A_5, %dma_start3A_87, %dma_start3A_88] : memref<2x128x128xf32, #tpu.memory_space<vmem>> -> memref<1x128x128xf32, #tpu.memory_space<vmem>>
          %dma_start3A_90 = tpu.memref_squeeze %dma_start3A_89 : memref<1x128x128xf32, #tpu.memory_space<vmem>> -> memref<128x128xf32, #tpu.memory_space<vmem>>
          %dma_start3A_91 = arith.constant 0 : i32
          %dma_start3A_92 = tpu.memref_slice %arg8[%add3A_52, %dma_start3A_91] : memref<40x128xi32, #tpu.memory_space<vmem>> -> memref<1x128xi32, #tpu.memory_space<vmem>>
          %dma_start3A_93 = tpu.memref_squeeze %dma_start3A_92 : memref<1x128xi32, #tpu.memory_space<vmem>> -> memref<128xi32, #tpu.memory_space<vmem>>
          %dma_start3A_94 = arith.constant 0 : i32
          %dma_start3A_95 = arith.constant 0 : i32
          %dma_start3A_96 = tpu.memref_slice %arg10[%dma_start3A_94, %dma_start3A_95] : memref<10240x128xf32, #tpu.memory_space<vmem_shared>> -> memref<10240x128xf32, #tpu.memory_space<vmem_shared>>
          tpu.enqueue_indirect_dma source(%dma_start3A_90 : memref<128x128xf32, #tpu.memory_space<vmem>>) target(%dma_start3A_96 : memref<10240x128xf32, #tpu.memory_space<vmem_shared>>) offsets(%dma_start3A_93 : memref<128xi32, #tpu.memory_space<vmem>>) semaphore(%run_scoped3A : memref<!tpu.dma_semaphore, #tpu.memory_space<semaphore_mem>>) {add = true}
          %dma_wait3A_97 = arith.constant 0 : i32
          %dma_wait3A_98 = arith.constant 0 : i32
          %dma_wait3A_99 = tpu.memref_slice %arg9[%scan3A_5, %dma_wait3A_97, %dma_wait3A_98] : memref<2x128x128xf32, #tpu.memory_space<vmem>> -> memref<1x128x128xf32, #tpu.memory_space<vmem>>
          %dma_wait3A_100 = tpu.memref_squeeze %dma_wait3A_99 : memref<1x128x128xf32, #tpu.memory_space<vmem>> -> memref<128x128xf32, #tpu.memory_space<vmem>>
          %dma_wait3A_101 = arith.constant 0 : i32
          %dma_wait3A_102 = tpu.memref_slice %arg8[%add3A_52, %dma_wait3A_101] : memref<40x128xi32, #tpu.memory_space<vmem>> -> memref<1x128xi32, #tpu.memory_space<vmem>>
          %dma_wait3A_103 = tpu.memref_squeeze %dma_wait3A_102 : memref<1x128xi32, #tpu.memory_space<vmem>> -> memref<128xi32, #tpu.memory_space<vmem>>
          %dma_wait3A_104 = arith.constant 0 : i32
          %dma_wait3A_105 = arith.constant 0 : i32
          %dma_wait3A_106 = tpu.memref_slice %arg10[%dma_wait3A_104, %dma_wait3A_105] : memref<10240x128xf32, #tpu.memory_space<vmem_shared>> -> memref<10240x128xf32, #tpu.memory_space<vmem_shared>>
          tpu.wait_indirect_dma semaphore(%run_scoped3A : memref<!tpu.dma_semaphore, #tpu.memory_space<semaphore_mem>>) src(%dma_wait3A_100 : memref<128x128xf32, #tpu.memory_space<vmem>>) dst(%dma_wait3A_106 : memref<10240x128xf32, #tpu.memory_space<vmem_shared>>)
          tpu.yield
        }) : () -> ()
        %add3A_62 = arith.constant 2 : i32
        %add3A_63 = arith.addi %add3A_52, %add3A_62 : i32
        %lt3A = arith.constant 40 : i32
        %lt3A_64 = arith.cmpi slt, %add3A_63, %lt3A : i32
        %convert_element_type3A = arith.extui %lt3A_64 : i1 to i32
        %cond3A = arith.constant 0 : i32
        %cond3A_65 = arith.cmpi ne, %convert_element_type3A, %cond3A : i32
        scf.if %cond3A_65 {
          %add3A_87 = arith.constant 2 : i32
          %add3A_88 = arith.addi %add3A_52, %add3A_87 : i32
          %dma_start3A_89 = arith.constant 0 : i32
          %dma_start3A_90 = arith.constant 0 : i32
          %dma_start3A_91 = tpu.memref_slice %arg9[%scan3A_5, %dma_start3A_89, %dma_start3A_90] : memref<2x128x128xf32, #tpu.memory_space<vmem>> -> memref<1x128x128xf32, #tpu.memory_space<vmem>>
          %dma_start3A_92 = tpu.memref_squeeze %dma_start3A_91 : memref<1x128x128xf32, #tpu.memory_space<vmem>> -> memref<128x128xf32, #tpu.memory_space<vmem>>
          %dma_start3A_93 = arith.constant 0 : i32
          %dma_start3A_94 = tpu.memref_slice %arg7[%add3A_88, %dma_start3A_93] : memref<40x128xi32, #tpu.memory_space<vmem>> -> memref<1x128xi32, #tpu.memory_space<vmem>>
          %dma_start3A_95 = tpu.memref_squeeze %dma_start3A_94 : memref<1x128xi32, #tpu.memory_space<vmem>> -> memref<128xi32, #tpu.memory_space<vmem>>
          %dma_start3A_96 = arith.constant 0 : i32
          %dma_start3A_97 = arith.constant 0 : i32
          %dma_start3A_98 = tpu.memref_slice %arg4[%dma_start3A_96, %dma_start3A_97] : memref<10240x128xf32, #tpu.memory_space<hbm>> -> memref<10240x128xf32, #tpu.memory_space<hbm>>
          tpu.enqueue_indirect_dma source(%dma_start3A_98 : memref<10240x128xf32, #tpu.memory_space<hbm>>) target(%dma_start3A_92 : memref<128x128xf32, #tpu.memory_space<vmem>>) offsets(%dma_start3A_95 : memref<128xi32, #tpu.memory_space<vmem>>) semaphore(%arg11 : memref<!tpu.dma_semaphore, #tpu.memory_space<semaphore_mem>>)
        } else {
        }
        %mul3A_66 = arith.constant 2 : i32
        %mul3A_67 = arith.muli %scan3A_48, %mul3A_66 : i32
        %add3A_68 = arith.constant 1 : i32
        %add3A_69 = arith.addi %mul3A_67, %add3A_68 : i32
        %dma_wait3A_70 = arith.constant 0 : i32
        %dma_wait3A_71 = arith.constant 0 : i32
        %dma_wait3A_72 = tpu.memref_slice %arg9[%scan3A_6, %dma_wait3A_70, %dma_wait3A_71] : memref<2x128x128xf32, #tpu.memory_space<vmem>> -> memref<1x128x128xf32, #tpu.memory_space<vmem>>
        %dma_wait3A_73 = tpu.memref_squeeze %dma_wait3A_72 : memref<1x128x128xf32, #tpu.memory_space<vmem>> -> memref<128x128xf32, #tpu.memory_space<vmem>>
        %dma_wait3A_74 = arith.constant 0 : i32
        %dma_wait3A_75 = tpu.memref_slice %arg7[%add3A_69, %dma_wait3A_74] : memref<40x128xi32, #tpu.memory_space<vmem>> -> memref<1x128xi32, #tpu.memory_space<vmem>>
        %dma_wait3A_76 = tpu.memref_squeeze %dma_wait3A_75 : memref<1x128xi32, #tpu.memory_space<vmem>> -> memref<128xi32, #tpu.memory_space<vmem>>
        %dma_wait3A_77 = arith.constant 0 : i32
        %dma_wait3A_78 = arith.constant 0 : i32
        %dma_wait3A_79 = tpu.memref_slice %arg4[%dma_wait3A_77, %dma_wait3A_78] : memref<10240x128xf32, #tpu.memory_space<hbm>> -> memref<10240x128xf32, #tpu.memory_space<hbm>>
        tpu.wait_indirect_dma semaphore(%arg12 : memref<!tpu.dma_semaphore, #tpu.memory_space<semaphore_mem>>) src(%dma_wait3A_79 : memref<10240x128xf32, #tpu.memory_space<hbm>>) dst(%dma_wait3A_73 : memref<128x128xf32, #tpu.memory_space<vmem>>)
        "tpu.region"() ({
          %run_scoped3A = tpu.sem_alloc : memref<!tpu.dma_semaphore, #tpu.memory_space<semaphore_mem>>
          %dma_start3A_87 = arith.constant 0 : i32
          %dma_start3A_88 = arith.constant 0 : i32
          %dma_start3A_89 = tpu.memref_slice %arg9[%scan3A_6, %dma_start3A_87, %dma_start3A_88] : memref<2x128x128xf32, #tpu.memory_space<vmem>> -> memref<1x128x128xf32, #tpu.memory_space<vmem>>
          %dma_start3A_90 = tpu.memref_squeeze %dma_start3A_89 : memref<1x128x128xf32, #tpu.memory_space<vmem>> -> memref<128x128xf32, #tpu.memory_space<vmem>>
          %dma_start3A_91 = arith.constant 0 : i32
          %dma_start3A_92 = tpu.memref_slice %arg8[%add3A_69, %dma_start3A_91] : memref<40x128xi32, #tpu.memory_space<vmem>> -> memref<1x128xi32, #tpu.memory_space<vmem>>
          %dma_start3A_93 = tpu.memref_squeeze %dma_start3A_92 : memref<1x128xi32, #tpu.memory_space<vmem>> -> memref<128xi32, #tpu.memory_space<vmem>>
          %dma_start3A_94 = arith.constant 0 : i32
          %dma_start3A_95 = arith.constant 0 : i32
          %dma_start3A_96 = tpu.memref_slice %arg10[%dma_start3A_94, %dma_start3A_95] : memref<10240x128xf32, #tpu.memory_space<vmem_shared>> -> memref<10240x128xf32, #tpu.memory_space<vmem_shared>>
          tpu.enqueue_indirect_dma source(%dma_start3A_90 : memref<128x128xf32, #tpu.memory_space<vmem>>) target(%dma_start3A_96 : memref<10240x128xf32, #tpu.memory_space<vmem_shared>>) offsets(%dma_start3A_93 : memref<128xi32, #tpu.memory_space<vmem>>) semaphore(%run_scoped3A : memref<!tpu.dma_semaphore, #tpu.memory_space<semaphore_mem>>) {add = true}
          %dma_wait3A_97 = arith.constant 0 : i32
          %dma_wait3A_98 = arith.constant 0 : i32
          %dma_wait3A_99 = tpu.memref_slice %arg9[%scan3A_6, %dma_wait3A_97, %dma_wait3A_98] : memref<2x128x128xf32, #tpu.memory_space<vmem>> -> memref<1x128x128xf32, #tpu.memory_space<vmem>>
          %dma_wait3A_100 = tpu.memref_squeeze %dma_wait3A_99 : memref<1x128x128xf32, #tpu.memory_space<vmem>> -> memref<128x128xf32, #tpu.memory_space<vmem>>
          %dma_wait3A_101 = arith.constant 0 : i32
          %dma_wait3A_102 = tpu.memref_slice %arg8[%add3A_69, %dma_wait3A_101] : memref<40x128xi32, #tpu.memory_space<vmem>> -> memref<1x128xi32, #tpu.memory_space<vmem>>
          %dma_wait3A_103 = tpu.memref_squeeze %dma_wait3A_102 : memref<1x128xi32, #tpu.memory_space<vmem>> -> memref<128xi32, #tpu.memory_space<vmem>>
          %dma_wait3A_104 = arith.constant 0 : i32
          %dma_wait3A_105 = arith.constant 0 : i32
          %dma_wait3A_106 = tpu.memref_slice %arg10[%dma_wait3A_104, %dma_wait3A_105] : memref<10240x128xf32, #tpu.memory_space<vmem_shared>> -> memref<10240x128xf32, #tpu.memory_space<vmem_shared>>
          tpu.wait_indirect_dma semaphore(%run_scoped3A : memref<!tpu.dma_semaphore, #tpu.memory_space<semaphore_mem>>) src(%dma_wait3A_100 : memref<128x128xf32, #tpu.memory_space<vmem>>) dst(%dma_wait3A_106 : memref<10240x128xf32, #tpu.memory_space<vmem_shared>>)
          tpu.yield
        }) : () -> ()
        %add3A_80 = arith.constant 2 : i32
        %add3A_81 = arith.addi %add3A_69, %add3A_80 : i32
        %lt3A_82 = arith.constant 40 : i32
        %lt3A_83 = arith.cmpi slt, %add3A_81, %lt3A_82 : i32
        %convert_element_type3A_84 = arith.extui %lt3A_83 : i1 to i32
        %cond3A_85 = arith.constant 0 : i32
        %cond3A_86 = arith.cmpi ne, %convert_element_type3A_84, %cond3A_85 : i32
        scf.if %cond3A_86 {
          %add3A_87 = arith.constant 2 : i32
          %add3A_88 = arith.addi %add3A_69, %add3A_87 : i32
          %dma_start3A_89 = arith.constant 0 : i32
          %dma_start3A_90 = arith.constant 0 : i32
          %dma_start3A_91 = tpu.memref_slice %arg9[%scan3A_6, %dma_start3A_89, %dma_start3A_90] : memref<2x128x128xf32, #tpu.memory_space<vmem>> -> memref<1x128x128xf32, #tpu.memory_space<vmem>>
          %dma_start3A_92 = tpu.memref_squeeze %dma_start3A_91 : memref<1x128x128xf32, #tpu.memory_space<vmem>> -> memref<128x128xf32, #tpu.memory_space<vmem>>
          %dma_start3A_93 = arith.constant 0 : i32
          %dma_start3A_94 = tpu.memref_slice %arg7[%add3A_88, %dma_start3A_93] : memref<40x128xi32, #tpu.memory_space<vmem>> -> memref<1x128xi32, #tpu.memory_space<vmem>>
          %dma_start3A_95 = tpu.memref_squeeze %dma_start3A_94 : memref<1x128xi32, #tpu.memory_space<vmem>> -> memref<128xi32, #tpu.memory_space<vmem>>
          %dma_start3A_96 = arith.constant 0 : i32
          %dma_start3A_97 = arith.constant 0 : i32
          %dma_start3A_98 = tpu.memref_slice %arg4[%dma_start3A_96, %dma_start3A_97] : memref<10240x128xf32, #tpu.memory_space<hbm>> -> memref<10240x128xf32, #tpu.memory_space<hbm>>
          tpu.enqueue_indirect_dma source(%dma_start3A_98 : memref<10240x128xf32, #tpu.memory_space<hbm>>) target(%dma_start3A_92 : memref<128x128xf32, #tpu.memory_space<vmem>>) offsets(%dma_start3A_95 : memref<128xi32, #tpu.memory_space<vmem>>) semaphore(%arg12 : memref<!tpu.dma_semaphore, #tpu.memory_space<semaphore_mem>>)
        } else {
        }
      }
      %scan3A_47 = arith.constant 20 : i32
    }
    %scan3A_11 = arith.constant 2 : i32
    %barrier3A_12 = arith.constant 0 : index
    tpu.barrier barrier_id(%barrier3A_12)
    %mul3A_13 = arith.constant 640 : i32
    %mul3A_14 = arith.muli %arg1, %mul3A_13 : i32
    %mul3A_15 = arith.constant 640 : i32
    %mul3A_16 = arith.muli %arg1, %mul3A_15 : i32
    "tpu.region"() ({
      %run_scoped3A = tpu.sem_alloc : memref<!tpu.dma_semaphore, #tpu.memory_space<semaphore_mem>>
      %dma_start3A = arith.constant 0 : i32
      %dma_start3A_17 = tpu.memref_slice %arg6[%arg0, %mul3A_16, %dma_start3A] : memref<2x10240x128xf32, #tpu.memory_space<hbm>> -> memref<1x640x128xf32, #tpu.memory_space<hbm>>
      %dma_start3A_18 = tpu.memref_squeeze %dma_start3A_17 : memref<1x640x128xf32, #tpu.memory_space<hbm>> -> memref<640x128xf32, #tpu.memory_space<hbm>>
      %dma_start3A_19 = arith.constant 0 : i32
      %dma_start3A_20 = tpu.memref_slice %arg10[%mul3A_14, %dma_start3A_19] : memref<10240x128xf32, #tpu.memory_space<vmem_shared>> -> memref<640x128xf32, #tpu.memory_space<vmem_shared>>
      tpu.enqueue_dma source(%dma_start3A_20 : memref<640x128xf32, #tpu.memory_space<vmem_shared>>) target(%dma_start3A_18 : memref<640x128xf32, #tpu.memory_space<hbm>>) target_semaphore(%run_scoped3A : memref<!tpu.dma_semaphore, #tpu.memory_space<semaphore_mem>>)
      %dma_wait3A = arith.constant 0 : i32
      %dma_wait3A_21 = tpu.memref_slice %arg6[%arg0, %mul3A_16, %dma_wait3A] : memref<2x10240x128xf32, #tpu.memory_space<hbm>> -> memref<1x640x128xf32, #tpu.memory_space<hbm>>
      %dma_wait3A_22 = tpu.memref_squeeze %dma_wait3A_21 : memref<1x640x128xf32, #tpu.memory_space<hbm>> -> memref<640x128xf32, #tpu.memory_space<hbm>>
      %dma_wait3A_23 = arith.constant 0 : i32
      %dma_wait3A_24 = tpu.memref_slice %arg10[%mul3A_14, %dma_wait3A_23] : memref<10240x128xf32, #tpu.memory_space<vmem_shared>> -> memref<640x128xf32, #tpu.memory_space<vmem_shared>>
      tpu.wait_dma2 semaphore(%run_scoped3A : memref<!tpu.dma_semaphore, #tpu.memory_space<semaphore_mem>>) src(%dma_wait3A_24 : memref<640x128xf32, #tpu.memory_space<vmem_shared>>) dst(%dma_wait3A_22 : memref<640x128xf32, #tpu.memory_space<hbm>>)
      tpu.yield
    }) : () -> ()
    return
  }
}

module attributes {stable_mosaic.version = 14 : i64} {
  func.func @_mm_body(%arg0: i32, %arg1: memref<1024x128xf32, #tpu.memory_space<vmem>>, %arg2: memref<128x128xf32, #tpu.memory_space<vmem>>, %arg3: memref<1024x128xf32, #tpu.memory_space<vmem>>) attributes {dimension_semantics = [#tpu.dimension_semantics<arbitrary>], iteration_bounds = array<i64: 10>, scalar_prefetch = 0 : i64, scratch_operands = 0 : i64, tpu.core_type = #tpu.core_type<tc>, window_params = [{transform_indices = @transform_0, window_bounds = array<i64: 1024, 128>}, {pipeline_mode = #tpu.pipeline_mode<synchronous>, transform_indices = @transform_1, window_bounds = array<i64: 128, 128>}, {transform_indices = @transform_2, window_bounds = array<i64: 1024, 128>}]} {
    %get3A = arith.constant 0 : index
    %get3A_0 = arith.constant 0 : index
    %get3A_1 = vector.load %arg1[%get3A, %get3A_0] : memref<1024x128xf32, #tpu.memory_space<vmem>>, vector<1024x128xf32>
    %get3A_2 = arith.constant 0 : index
    %get3A_3 = arith.constant 0 : index
    %get3A_4 = vector.load %arg2[%get3A_2, %get3A_3] : memref<128x128xf32, #tpu.memory_space<vmem>>, vector<128x128xf32>
    %dot_general3A = arith.constant dense<0.000000e+00> : vector<1024x128xf32>
    %dot_general3A_5 = tpu.matmul %get3A_1, %get3A_4, %dot_general3A {dimension_numbers = #tpu.dot_dimension_numbers<[1], [0], [0], [1], [0, 0, 1, 1], [], []>, transpose_lhs_hint = false} : vector<1024x128xf32>, vector<128x128xf32>, vector<1024x128xf32> -> vector<1024x128xf32>
    %swap3A = arith.constant 0 : index
    %swap3A_6 = arith.constant 0 : index
    %swap3A_7 = vector.load %arg3[%swap3A, %swap3A_6] : memref<1024x128xf32, #tpu.memory_space<vmem>>, vector<1024x128xf32>
    tpu.vector_store %arg3[%swap3A, %swap3A_6], %dot_general3A_5 {strides = array<i32>} : memref<1024x128xf32, #tpu.memory_space<vmem>>, vector<1024x128xf32>,
    return
  }
  func.func @transform_0(%arg0: i32) -> (i32, i32) {
    %c0_i32 = arith.constant 0 : i32
    %c0_i32_0 = arith.constant 0 : i32
    return %arg0, %c0_i32 : i32, i32
  }
  func.func @transform_1(%arg0: i32) -> (i32, i32) {
    %c0_i32 = arith.constant 0 : i32
    %c0_i32_0 = arith.constant 0 : i32
    %c0_i32_1 = arith.constant 0 : i32
    return %c0_i32, %c0_i32_0 : i32, i32
  }
  func.func @transform_2(%arg0: i32) -> (i32, i32) {
    %c0_i32 = arith.constant 0 : i32
    %c0_i32_0 = arith.constant 0 : i32
    return %arg0, %c0_i32 : i32, i32
  }
}

module attributes {stable_mosaic.version = 14 : i64} {
  func.func @_scale_body(%arg0: i32, %arg1: memref<1024x128xf32, #tpu.memory_space<vmem>>, %arg2: memref<2x1024x128xf32, #tpu.memory_space<vmem>>, %arg3: memref<1024x128xf32, #tpu.memory_space<vmem>>, %arg4: memref<1024xf32, #tpu.memory_space<vmem>>) attributes {dimension_semantics = [#tpu.dimension_semantics<arbitrary>], iteration_bounds = array<i64: 10>, scalar_prefetch = 0 : i64, scratch_operands = 0 : i64, tpu.core_type = #tpu.core_type<tc>, window_params = [{transform_indices = @transform_0, window_bounds = array<i64: 1024, 128>}, {transform_indices = @transform_1, window_bounds = array<i64: 2, 1024, 128>}, {transform_indices = @transform_2, window_bounds = array<i64: 1024, 128>}, {transform_indices = @transform_3, window_bounds = array<i64: 1024>}]} {
    %get3A = arith.constant 0 : index
    %get3A_0 = arith.constant 0 : index
    %get3A_1 = arith.constant 0 : index
    %get3A_2 = vector.load %arg2[%get3A, %get3A_0, %get3A_1] : memref<2x1024x128xf32, #tpu.memory_space<vmem>>, vector<1x1024x1xf32>
    %get3A_3 = vector.shape_cast %get3A_2 : vector<1x1024x1xf32> to vector<1024xf32>
    %get3A_4 = arith.constant 1 : index
    %get3A_5 = arith.constant 0 : index
    %get3A_6 = arith.constant 0 : index
    %get3A_7 = vector.load %arg2[%get3A_4, %get3A_5, %get3A_6] : memref<2x1024x128xf32, #tpu.memory_space<vmem>>, vector<1x1024x1xf32>
    %get3A_8 = vector.shape_cast %get3A_7 : vector<1x1024x1xf32> to vector<1024xf32>
    %add3A = arith.addf %get3A_3, %get3A_8 : vector<1024xf32>
    %add3A_9 = arith.constant 1.000000e+00 : f32
    %add3A_10 = vector.broadcast %add3A_9 : f32 to vector<1024xf32>
    %add3A_11 = arith.addf %add3A, %add3A_10 : vector<1024xf32>
    %rsqrt3A = math.rsqrt %add3A_11 : vector<1024xf32>
    %get3A_12 = arith.constant 0 : index
    %get3A_13 = arith.constant 0 : index
    %get3A_14 = vector.load %arg1[%get3A_12, %get3A_13] : memref<1024x128xf32, #tpu.memory_space<vmem>>, vector<1024x128xf32>
    %broadcast_in_dim3A = vector.shape_cast %rsqrt3A : vector<1024xf32> to vector<1024x1xf32>
    %mul3A = vector.broadcast %broadcast_in_dim3A : vector<1024x1xf32> to vector<1024x128xf32>
    %mul3A_15 = arith.mulf %get3A_14, %mul3A : vector<1024x128xf32>
    %swap3A = arith.constant 0 : index
    %swap3A_16 = arith.constant 0 : index
    %swap3A_17 = vector.load %arg3[%swap3A, %swap3A_16] : memref<1024x128xf32, #tpu.memory_space<vmem>>, vector<1024x128xf32>
    tpu.vector_store %arg3[%swap3A, %swap3A_16], %mul3A_15 {strides = array<i32>} : memref<1024x128xf32, #tpu.memory_space<vmem>>, vector<1024x128xf32>,
    %swap3A_18 = arith.constant 0 : index
    %swap3A_19 = vector.load %arg4[%swap3A_18] : memref<1024xf32, #tpu.memory_space<vmem>>, vector<1024xf32>
    tpu.vector_store %arg4[%swap3A_18], %rsqrt3A {strides = array<i32>} : memref<1024xf32, #tpu.memory_space<vmem>>, vector<1024xf32>,
    return
  }
  func.func @transform_0(%arg0: i32) -> (i32, i32) {
    %c0_i32 = arith.constant 0 : i32
    %c0_i32_0 = arith.constant 0 : i32
    return %arg0, %c0_i32 : i32, i32
  }
  func.func @transform_1(%arg0: i32) -> (i32, i32, i32) {
    %c0_i32 = arith.constant 0 : i32
    %c0_i32_0 = arith.constant 0 : i32
    %c0_i32_1 = arith.constant 0 : i32
    return %c0_i32, %arg0, %c0_i32_0 : i32, i32, i32
  }
  func.func @transform_2(%arg0: i32) -> (i32, i32) {
    %c0_i32 = arith.constant 0 : i32
    %c0_i32_0 = arith.constant 0 : i32
    return %arg0, %c0_i32 : i32, i32
  }
  func.func @transform_3(%arg0: i32) -> i32 {
    %c0_i32 = arith.constant 0 : i32
    return %arg0 : i32
  }
}

module attributes {stable_mosaic.version = 14 : i64} {
  func.func @_mid_body(%arg0: i32, %arg1: memref<2x1024x128xf32, #tpu.memory_space<vmem>>, %arg2: memref<1024xf32, #tpu.memory_space<vmem>>, %arg3: memref<1024x128xf32, #tpu.memory_space<vmem>>, %arg4: memref<128xf32, #tpu.memory_space<vmem>>, %arg5: memref<1024x128xf32, #tpu.memory_space<vmem>>, %arg6: memref<1024x128xf32, #tpu.memory_space<vmem>>) attributes {dimension_semantics = [#tpu.dimension_semantics<arbitrary>], iteration_bounds = array<i64: 10>, scalar_prefetch = 0 : i64, scratch_operands = 0 : i64, tpu.core_type = #tpu.core_type<tc>, window_params = [{transform_indices = @transform_0, window_bounds = array<i64: 2, 1024, 128>}, {transform_indices = @transform_1, window_bounds = array<i64: 1024>}, {transform_indices = @transform_2, window_bounds = array<i64: 1024, 128>}, {pipeline_mode = #tpu.pipeline_mode<synchronous>, transform_indices = @transform_3, window_bounds = array<i64: 128>}, {transform_indices = @transform_4, window_bounds = array<i64: 1024, 128>}, {transform_indices = @transform_5, window_bounds = array<i64: 1024, 128>}]} {
    %get3A = arith.constant 0 : index
    %get3A_0 = vector.load %arg2[%get3A] : memref<1024xf32, #tpu.memory_space<vmem>>, vector<1024xf32>
    %broadcast_in_dim3A = vector.shape_cast %get3A_0 : vector<1024xf32> to vector<1024x1xf32>
    %get3A_1 = arith.constant 0 : index
    %get3A_2 = arith.constant 0 : index
    %get3A_3 = arith.constant 0 : index
    %get3A_4 = vector.load %arg1[%get3A_1, %get3A_2, %get3A_3] : memref<2x1024x128xf32, #tpu.memory_space<vmem>>, vector<1x1024x128xf32>
    %get3A_5 = vector.shape_cast %get3A_4 : vector<1x1024x128xf32> to vector<1024x128xf32>
    %get3A_6 = arith.constant 1 : index
    %get3A_7 = arith.constant 0 : index
    %get3A_8 = arith.constant 0 : index
    %get3A_9 = vector.load %arg1[%get3A_6, %get3A_7, %get3A_8] : memref<2x1024x128xf32, #tpu.memory_space<vmem>>, vector<1x1024x128xf32>
    %get3A_10 = vector.shape_cast %get3A_9 : vector<1x1024x128xf32> to vector<1024x128xf32>
    %add3A = arith.addf %get3A_5, %get3A_10 : vector<1024x128xf32>
    %mul3A = vector.broadcast %broadcast_in_dim3A : vector<1024x1xf32> to vector<1024x128xf32>
    %mul3A_11 = arith.mulf %add3A, %mul3A : vector<1024x128xf32>
    %mul3A_12 = arith.mulf %broadcast_in_dim3A, %broadcast_in_dim3A : vector<1024x1xf32>
    %get3A_13 = arith.constant 0 : index
    %get3A_14 = arith.constant 0 : index
    %get3A_15 = vector.load %arg3[%get3A_13, %get3A_14] : memref<1024x128xf32, #tpu.memory_space<vmem>>, vector<1024x128xf32>
    %mul3A_16 = vector.broadcast %mul3A_12 : vector<1024x1xf32> to vector<1024x128xf32>
    %mul3A_17 = arith.mulf %mul3A_16, %get3A_15 : vector<1024x128xf32>
    %add3A_18 = arith.addf %mul3A_11, %mul3A_17 : vector<1024x128xf32>
    %get3A_19 = arith.constant 0 : index
    %get3A_20 = vector.load %arg4[%get3A_19] : memref<128xf32, #tpu.memory_space<vmem>>, vector<128xf32>
    %broadcast_in_dim3A_21 = vector.shape_cast %get3A_20 : vector<128xf32> to vector<1x128xf32>
    %add3A_22 = vector.broadcast %broadcast_in_dim3A_21 : vector<1x128xf32> to vector<1024x128xf32>
    %add3A_23 = arith.addf %add3A_18, %add3A_22 : vector<1024x128xf32>
    %max3A = arith.constant 0.000000e+00 : f32
    %max3A_24 = vector.broadcast %max3A : f32 to vector<1024x128xf32>
    %max3A_25 = arith.maximumf %add3A_23, %max3A_24 : vector<1024x128xf32>
    %swap3A = arith.constant 0 : index
    %swap3A_26 = arith.constant 0 : index
    %swap3A_27 = vector.load %arg5[%swap3A, %swap3A_26] : memref<1024x128xf32, #tpu.memory_space<vmem>>, vector<1024x128xf32>
    tpu.vector_store %arg5[%swap3A, %swap3A_26], %max3A_25 {strides = array<i32>} : memref<1024x128xf32, #tpu.memory_space<vmem>>, vector<1024x128xf32>,
    %mul3A_28 = vector.broadcast %broadcast_in_dim3A : vector<1024x1xf32> to vector<1024x128xf32>
    %mul3A_29 = arith.mulf %max3A_25, %mul3A_28 : vector<1024x128xf32>
    %swap3A_30 = arith.constant 0 : index
    %swap3A_31 = arith.constant 0 : index
    %swap3A_32 = vector.load %arg6[%swap3A_30, %swap3A_31] : memref<1024x128xf32, #tpu.memory_space<vmem>>, vector<1024x128xf32>
    tpu.vector_store %arg6[%swap3A_30, %swap3A_31], %mul3A_29 {strides = array<i32>} : memref<1024x128xf32, #tpu.memory_space<vmem>>, vector<1024x128xf32>,
    return
  }
  func.func @transform_0(%arg0: i32) -> (i32, i32, i32) {
    %c0_i32 = arith.constant 0 : i32
    %c0_i32_0 = arith.constant 0 : i32
    %c0_i32_1 = arith.constant 0 : i32
    return %c0_i32, %arg0, %c0_i32_0 : i32, i32, i32
  }
  func.func @transform_1(%arg0: i32) -> i32 {
    %c0_i32 = arith.constant 0 : i32
    return %arg0 : i32
  }
  func.func @transform_2(%arg0: i32) -> (i32, i32) {
    %c0_i32 = arith.constant 0 : i32
    %c0_i32_0 = arith.constant 0 : i32
    return %arg0, %c0_i32 : i32, i32
  }
  func.func @transform_3(%arg0: i32) -> i32 {
    %c0_i32 = arith.constant 0 : i32
    %c0_i32_0 = arith.constant 0 : i32
    return %c0_i32 : i32
  }
  func.func @transform_4(%arg0: i32) -> (i32, i32) {
    %c0_i32 = arith.constant 0 : i32
    %c0_i32_0 = arith.constant 0 : i32
    return %arg0, %c0_i32 : i32, i32
  }
  func.func @transform_5(%arg0: i32) -> (i32, i32) {
    %c0_i32 = arith.constant 0 : i32
    %c0_i32_0 = arith.constant 0 : i32
    return %arg0, %c0_i32 : i32, i32
  }
}

module attributes {stable_mosaic.version = 14 : i64} {
  func.func @_fin_body(%arg0: i32, %arg1: memref<2x1024x128xf32, #tpu.memory_space<vmem>>, %arg2: memref<1024xf32, #tpu.memory_space<vmem>>, %arg3: memref<1024x128xf32, #tpu.memory_space<vmem>>, %arg4: memref<128x64xf32, #tpu.memory_space<vmem>>, %arg5: memref<64xf32, #tpu.memory_space<vmem>>, %arg6: memref<128x64xf32, #tpu.memory_space<vmem>>, %arg7: memref<64xf32, #tpu.memory_space<vmem>>, %arg8: memref<1024x64xf32, #tpu.memory_space<vmem>>, %arg9: memref<1024x64xf32, #tpu.memory_space<vmem>>) attributes {dimension_semantics = [#tpu.dimension_semantics<arbitrary>], iteration_bounds = array<i64: 10>, scalar_prefetch = 0 : i64, scratch_operands = 0 : i64, tpu.core_type = #tpu.core_type<tc>, window_params = [{transform_indices = @transform_0, window_bounds = array<i64: 2, 1024, 128>}, {transform_indices = @transform_1, window_bounds = array<i64: 1024>}, {transform_indices = @transform_2, window_bounds = array<i64: 1024, 128>}, {pipeline_mode = #tpu.pipeline_mode<synchronous>, transform_indices = @transform_3, window_bounds = array<i64: 128, 64>}, {pipeline_mode = #tpu.pipeline_mode<synchronous>, transform_indices = @transform_4, window_bounds = array<i64: 64>}, {pipeline_mode = #tpu.pipeline_mode<synchronous>, transform_indices = @transform_5, window_bounds = array<i64: 128, 64>}, {pipeline_mode = #tpu.pipeline_mode<synchronous>, transform_indices = @transform_6, window_bounds = array<i64: 64>}, {transform_indices = @transform_7, window_bounds = array<i64: 1024, 64>}, {transform_indices = @transform_8, window_bounds = array<i64: 1024, 64>}]} {
    %get3A = arith.constant 0 : index
    %get3A_0 = vector.load %arg2[%get3A] : memref<1024xf32, #tpu.memory_space<vmem>>, vector<1024xf32>
    %broadcast_in_dim3A = vector.shape_cast %get3A_0 : vector<1024xf32> to vector<1024x1xf32>
    %get3A_1 = arith.constant 0 : index
    %get3A_2 = arith.constant 0 : index
    %get3A_3 = arith.constant 0 : index
    %get3A_4 = vector.load %arg1[%get3A_1, %get3A_2, %get3A_3] : memref<2x1024x128xf32, #tpu.memory_space<vmem>>, vector<1x1024x128xf32>
    %get3A_5 = vector.shape_cast %get3A_4 : vector<1x1024x128xf32> to vector<1024x128xf32>
    %get3A_6 = arith.constant 1 : index
    %get3A_7 = arith.constant 0 : index
    %get3A_8 = arith.constant 0 : index
    %get3A_9 = vector.load %arg1[%get3A_6, %get3A_7, %get3A_8] : memref<2x1024x128xf32, #tpu.memory_space<vmem>>, vector<1x1024x128xf32>
    %get3A_10 = vector.shape_cast %get3A_9 : vector<1x1024x128xf32> to vector<1024x128xf32>
    %add3A = arith.addf %get3A_5, %get3A_10 : vector<1024x128xf32>
    %mul3A = vector.broadcast %broadcast_in_dim3A : vector<1024x1xf32> to vector<1024x128xf32>
    %mul3A_11 = arith.mulf %add3A, %mul3A : vector<1024x128xf32>
    %mul3A_12 = arith.mulf %broadcast_in_dim3A, %broadcast_in_dim3A : vector<1024x1xf32>
    %get3A_13 = arith.constant 0 : index
    %get3A_14 = arith.constant 0 : index
    %get3A_15 = vector.load %arg3[%get3A_13, %get3A_14] : memref<1024x128xf32, #tpu.memory_space<vmem>>, vector<1024x128xf32>
    %mul3A_16 = vector.broadcast %mul3A_12 : vector<1024x1xf32> to vector<1024x128xf32>
    %mul3A_17 = arith.mulf %mul3A_16, %get3A_15 : vector<1024x128xf32>
    %add3A_18 = arith.addf %mul3A_11, %mul3A_17 : vector<1024x128xf32>
    %get3A_19 = arith.constant 0 : index
    %get3A_20 = arith.constant 0 : index
    %get3A_21 = vector.load %arg4[%get3A_19, %get3A_20] : memref<128x64xf32, #tpu.memory_space<vmem>>, vector<128x64xf32>
    %dot_general3A = arith.constant dense<0.000000e+00> : vector<1024x64xf32>
    %dot_general3A_22 = tpu.matmul %add3A_18, %get3A_21, %dot_general3A {dimension_numbers = #tpu.dot_dimension_numbers<[1], [0], [0], [1], [0, 0, 1, 1], [], []>, transpose_lhs_hint = false} : vector<1024x128xf32>, vector<128x64xf32>, vector<1024x64xf32> -> vector<1024x64xf32>
    %get3A_23 = arith.constant 0 : index
    %get3A_24 = vector.load %arg5[%get3A_23] : memref<64xf32, #tpu.memory_space<vmem>>, vector<64xf32>
    %broadcast_in_dim3A_25 = vector.shape_cast %get3A_24 : vector<64xf32> to vector<1x64xf32>
    %add3A_26 = vector.broadcast %broadcast_in_dim3A_25 : vector<1x64xf32> to vector<1024x64xf32>
    %add3A_27 = arith.addf %dot_general3A_22, %add3A_26 : vector<1024x64xf32>
    %swap3A = arith.constant 0 : index
    %swap3A_28 = arith.constant 0 : index
    %swap3A_29 = vector.load %arg8[%swap3A, %swap3A_28] : memref<1024x64xf32, #tpu.memory_space<vmem>>, vector<1024x64xf32>
    tpu.vector_store %arg8[%swap3A, %swap3A_28], %add3A_27 {strides = array<i32>} : memref<1024x64xf32, #tpu.memory_space<vmem>>, vector<1024x64xf32>,
    %get3A_30 = arith.constant 0 : index
    %get3A_31 = arith.constant 0 : index
    %get3A_32 = vector.load %arg6[%get3A_30, %get3A_31] : memref<128x64xf32, #tpu.memory_space<vmem>>, vector<128x64xf32>
    %dot_general3A_33 = arith.constant dense<0.000000e+00> : vector<1024x64xf32>
    %dot_general3A_34 = tpu.matmul %add3A_18, %get3A_32, %dot_general3A_33 {dimension_numbers = #tpu.dot_dimension_numbers<[1], [0], [0], [1], [0, 0, 1, 1], [], []>, transpose_lhs_hint = false} : vector<1024x128xf32>, vector<128x64xf32>, vector<1024x64xf32> -> vector<1024x64xf32>
    %get3A_35 = arith.constant 0 : index
    %get3A_36 = vector.load %arg7[%get3A_35] : memref<64xf32, #tpu.memory_space<vmem>>, vector<64xf32>
    %broadcast_in_dim3A_37 = vector.shape_cast %get3A_36 : vector<64xf32> to vector<1x64xf32>
    %add3A_38 = vector.broadcast %broadcast_in_dim3A_37 : vector<1x64xf32> to vector<1024x64xf32>
    %add3A_39 = arith.addf %dot_general3A_34, %add3A_38 : vector<1024x64xf32>
    %swap3A_40 = arith.constant 0 : index
    %swap3A_41 = arith.constant 0 : index
    %swap3A_42 = vector.load %arg9[%swap3A_40, %swap3A_41] : memref<1024x64xf32, #tpu.memory_space<vmem>>, vector<1024x64xf32>
    tpu.vector_store %arg9[%swap3A_40, %swap3A_41], %add3A_39 {strides = array<i32>} : memref<1024x64xf32, #tpu.memory_space<vmem>>, vector<1024x64xf32>,
    return
  }
  func.func @transform_0(%arg0: i32) -> (i32, i32, i32) {
    %c0_i32 = arith.constant 0 : i32
    %c0_i32_0 = arith.constant 0 : i32
    %c0_i32_1 = arith.constant 0 : i32
    return %c0_i32, %arg0, %c0_i32_0 : i32, i32, i32
  }
  func.func @transform_1(%arg0: i32) -> i32 {
    %c0_i32 = arith.constant 0 : i32
    return %arg0 : i32
  }
  func.func @transform_2(%arg0: i32) -> (i32, i32) {
    %c0_i32 = arith.constant 0 : i32
    %c0_i32_0 = arith.constant 0 : i32
    return %arg0, %c0_i32 : i32, i32
  }
  func.func @transform_3(%arg0: i32) -> (i32, i32) {
    %c0_i32 = arith.constant 0 : i32
    %c0_i32_0 = arith.constant 0 : i32
    %c0_i32_1 = arith.constant 0 : i32
    return %c0_i32, %c0_i32_0 : i32, i32
  }
  func.func @transform_4(%arg0: i32) -> i32 {
    %c0_i32 = arith.constant 0 : i32
    %c0_i32_0 = arith.constant 0 : i32
    return %c0_i32 : i32
  }
  func.func @transform_5(%arg0: i32) -> (i32, i32) {
    %c0_i32 = arith.constant 0 : i32
    %c0_i32_0 = arith.constant 0 : i32
    %c0_i32_1 = arith.constant 0 : i32
    return %c0_i32, %c0_i32_0 : i32, i32
  }
  func.func @transform_6(%arg0: i32) -> i32 {
    %c0_i32 = arith.constant 0 : i32
    %c0_i32_0 = arith.constant 0 : i32
    return %c0_i32 : i32
  }
  func.func @transform_7(%arg0: i32) -> (i32, i32) {
    %c0_i32 = arith.constant 0 : i32
    %c0_i32_0 = arith.constant 0 : i32
    return %arg0, %c0_i32 : i32, i32
  }
  func.func @transform_8(%arg0: i32) -> (i32, i32) {
    %c0_i32 = arith.constant 0 : i32
    %c0_i32_0 = arith.constant 0 : i32
    return %arg0, %c0_i32 : i32, i32
  }
}

</mosaic_0001>

<sc_bundles>
// kernel: kernel.12.cloned.1.call-start
scs
__scs_entry_jumppad:
0x0: {  	(pc) =	sbr.rel $0x88, $3  }
0x1: {  	(tag) =	ssettag $0x0;
	lr =	simm.s32 $0x1  }
0x2: {  	[smem:$0x3F99] =	sst lr;
	_ =	strace $0xD0000000  }
0x3: {  	_ = 	snop  }
0x4: {  	_ = 	snop  }
0x5: {  	_ = 	snop  }
0x6: {  	_ = 	snop  }
0x7: {  	_ = 	snop  }
__scs_overlays_trampoline_lowered:
0x8: {  	[smem:$0x3FA8] =	sst s0  }
0x9: {  	[smem:$0x3FA9] =	sst s1  }
0xa: {  	[smem:$0x3FAA] =	sst s2  }
0xb: {  	[smem:$0x3FAB] =	sst s3  }
0xc: {  	[smem:$0x3FAC] =	sst s4  }
0xd: {  	[smem:$0x3FAD] =	sst s5  }
0xe: {  	[smem:$0x3FAE] =	sst s6  }
0xf: {  	[smem:$0x3FAF] =	sst s7  }
0x10: {  	[smem:$0x3FB0] =	sst s8  }
0x11: {  	[smem:$0x3FB1] =	sst s9;
	s0 =	simm.s32 @!p0 $0x0  }
0x12: {  	s1 =	sld [smem:$0x3F97];
	s0 =	simm.s32 @p0 $0x1  }
0x13: {  	[smem:$0x3FB2] =	sst s0;
	s0 =	simm.s32 @!p1 $0x0  }
0x14: {  	s2 =	sld [smem:$0x3F96];
	s0 =	simm.s32 @p1 $0x1  }
0x15: {  	[smem:$0x3FB3] =	sst s0;
	s0 =	simm.s32 @!p2 $0x0  }
0x16: {  	s3 =	sld [smem:$0x3FDB];
	s0 =	simm.s32 @p2 $0x1  }
0x17: {  	s4 =	simm.s32 $0x1BF5;
	[smem:$0x3FB5] =	sst s0  }
0x18: {  	s0 =	sld [smem:$0x3F98];
	_ =	swait.ge [sflag:s4], $0x0  }
0x19: {  	s7 =	sld [smem:$0x3F99]  }
0x1a: {  	s8 =	sadd.s32 $0xFFFFE003, lr  }
0x1b: {  	s9 =	sadd.s32 $0xFFFFFEF7, lr;
	s5 =	simm.s32 $0xFFFFFFFF;
	p2 =	slt.u32 s8, $0xFFFFF086  }
0x1c: {  	p1 =	slt.u32 s9, $0xF7A;
	s5 =	simm.s32 @!p2 $0x0  }
0x1d: {  	s5 =	simm.s32 @p1 $0x1;
	p0 =	seq.s32 s7, s2  }
0x1e: {  	s7 =	smul.u32 @!p0 $0xF7A, s2;
	p2 =	seq.s32 @!p0 s5, $0x0  }
0x1f: {  	s9 =	smul.u32 $0xF7A, s1;
	s8 =	simm.s32 @!p0 $0x1BF5;
	p2 =	por !p2, p0  }
0x20: {  	[sflag:s8] =	ssyncset.s32 @!p0 $0xFFFFF086;
	s6 =	sadd.s32 @!p0 s3, s7;
	s7 =	simm.s32 @!p0 $0x108  }
0x21: {  	s3 =	sadd.s32 s3, s9;
	s6 =	sadd.s32 @!p0 $0x88, s6;
	s7 =	simm.s32 @p2 $0x1082  }
0x22: {  	[simem:s7], [sflag:s8] =	dma.local @!p0 [hbm:s6], $0xF7A  }
0x23: {  	s9 =	sor.u32 $0xD0000000, s2;
	s6 =	simm.s32 $0x108;
	_ =	swait.ge @!p0 [sflag:s8], $0x0  }
0x24: {  	s3 =	sadd.s32 $0x88, s3;
	s6 =	simm.s32 @!p1 $0x1082;
	[sflag:s4] =	ssyncset.s32 $0xFFFFF086  }
0x25: {  	[simem:s6], [sflag:s4] =	dma.local [hbm:s3], $0xF7A  }
0x26: {  	[smem:$0x3F99] =	sst s1;
	(tag) =	ssettag s2;
	_ =	strace s9  }
0x27: {  	s1 =	sld [smem:$0x3FA9]  }
0x28: {  	s2 =	sld [smem:$0x3FAA]  }
0x29: {  	s4 =	sld [smem:$0x3FAC]  }
0x2a: {  	p0 =	seq.s32 s5, $0x0;
	s5 =	sld [smem:$0x3FAD]  }
0x2b: {  	s6 =	sld [smem:$0x3FAE]  }
0x2c: {  	s7 =	sld [smem:$0x3FAF]  }
0x2d: {  	s3 =	simm.s32 $0x108;
	s8 =	sld [smem:$0x3FB0]  }
0x2e: {  	s3 =	simm.s32 @!p0 $0x1082;
	s9 =	sld [smem:$0x3FB1]  }
0x2f: {  	lr =	sadd.s32 s0, s3;
	s0 =	sld [smem:$0x3FA8]  }
0x30: {  	s3 =	sld [smem:$0x3FAB]  }
0x31: {  	[smem:$0x3FB4] =	sst s10  }
0x32: {  	s10 =	sld [smem:$0x3FB2];
	_ =	sdelay $0x3  }
0x33: {  	p0 =	seq.s32 s10, $0x1;
	s10 =	sld [smem:$0x3FB4];
	_ =	sdelay $0x3  }
0x34: {  	[smem:$0x3FB4] =	sst s10  }
0x35: {  	s10 =	sld [smem:$0x3FB3];
	_ =	sdelay $0x3  }
0x36: {  	p1 =	seq.s32 s10, $0x1;
	s10 =	sld [smem:$0x3FB4];
	_ =	sdelay $0x3  }
0x37: {  	[smem:$0x3FB4] =	sst s10  }
0x38: {  	s10 =	sld [smem:$0x3FB5]  }
0x39: {  	_ = 	snop;
	(pc) =	sbr.ind lr, $3  }
0x3a: {  	_ = 	snop  }
0x3b: {  	_ = 	snop  }
0x3c: {  	p2 =	seq.s32 s10, $0x1;
	s10 =	sld [smem:$0x3FB4]  }
0x3d: {  	_ =	shalt  }
0x3e: {  	_ =	shalt  }
0x3f: {  	_ =	shalt  }
0x40: {  	_ =	shalt  }
0x41: {  	_ =	shalt  }
0x42: {  	_ =	shalt  }
0x43: {  	_ =	shalt  }
0x44: {  	_ =	shalt  }
0x45: {  	_ =	shalt  }
0x46: {  	_ =	shalt  }
0x47: {  	_ =	shalt  }
0x48: {  	_ =	shalt  }
0x49: {  	_ =	shalt  }
0x4a: {  	_ =	shalt  }
0x4b: {  	_ =	shalt  }
0x4c: {  	_ =	shalt  }
0x4d: {  	_ =	shalt  }
0x4e: {  	_ =	shalt  }
0x4f: {  	_ =	shalt  }
0x50: {  	_ =	shalt  }
0x51: {  	_ =	shalt  }
0x52: {  	_ =	shalt  }
0x53: {  	_ =	shalt  }
0x54: {  	_ =	shalt  }
0x55: {  	_ =	shalt  }
0x56: {  	_ =	shalt  }
0x57: {  	_ =	shalt  }
0x58: {  	_ =	shalt  }
0x59: {  	_ =	shalt  }
0x5a: {  	_ =	shalt  }
0x5b: {  	_ =	shalt  }
0x5c: {  	_ =	shalt  }
0x5d: {  	_ =	shalt  }
0x5e: {  	_ =	shalt  }
0x5f: {  	_ =	shalt  }
0x60: {  	_ =	shalt  }
0x61: {  	_ =	shalt  }
0x62: {  	_ =	shalt  }
0x63: {  	_ =	shalt  }
0x64: {  	_ =	shalt  }
0x65: {  	_ =	shalt  }
0x66: {  	_ =	shalt  }
0x67: {  	_ =	shalt  }
0x68: {  	_ =	shalt  }
0x69: {  	_ =	shalt  }
0x6a: {  	_ =	shalt  }
0x6b: {  	_ =	shalt  }
0x6c: {  	_ =	shalt  }
0x6d: {  	_ =	shalt  }
0x6e: {  	_ =	shalt  }
0x6f: {  	_ =	shalt  }
0x70: {  	_ =	shalt  }
0x71: {  	_ =	shalt  }
0x72: {  	_ =	shalt  }
0x73: {  	_ =	shalt  }
0x74: {  	_ =	shalt  }
0x75: {  	_ =	shalt  }
0x76: {  	_ =	shalt  }
0x77: {  	_ =	shalt  }
0x78: {  	_ =	shalt  }
0x79: {  	_ =	shalt  }
0x7a: {  	_ =	shalt  }
0x7b: {  	_ =	shalt  }
0x7c: {  	_ =	shalt  }
0x7d: {  	_ =	shalt  }
0x7e: {  	_ =	shalt  }
0x7f: {  	_ =	shalt  }
0x80: {  	_ =	shalt  }
0x81: {  	_ =	shalt  }
0x82: {  	_ =	shalt  }
0x83: {  	_ =	shalt  }
0x84: {  	_ =	shalt  }
0x85: {  	_ =	shalt  }
0x86: {  	_ =	shalt  }
0x87: {  	_ =	shalt  }
.Lfunc_end0:
.L_simem_size_0:
called_computation.1_lowered:
.L_overlay_start_0:
0x88: {  	s2 =	sld [smem:$0x3FD9]  }
0x89: {  	s3 =	sld [smem:$0x3FFE];
	_ =	sdelay $0x1  }
0x8a: {  	s1 =	srdreg.scid  }
0x8b: {  	s0 =	sand.u32 $0x1, s1  }
0x8c: {  	s14 =	sshll.u32 s0, $0xA;
	s2 =	sadd.s32 s3, s2  }
0x8d: {  	s2 =	sadd.s32 s2, s14  }
0x8e: {  	[smem:$0x3FC0] =	sst s2  }
0x8f: {  	_ = 	snop  }
0x90: {  	s2 =	sld [smem:$0x3FD0];
	_ =	sdelay $0x2  }
0x91: {  	s15 =	simm.s32 $0xA;
	s4 =	simm.s32 $0x10  }
0x92: {  	[smem:s4], [sflag:s15] =	dma.local [hbm:s2], $0x1  }
0x93: {  	_ =	swait.eq [sflag:s15], $0x1  }
0x94: {  	[sflag:s15] =	ssyncset.done $0x0  }
0x95: {  	s16 =	sld [smem:$0x10];
	[sflag:s15] =	ssyncadd.s32 $0xFFFFFFFF  }
0x96: {  	s17 =	sld [smem:$0x11];
	(tm) =	ssettm $0x1  }
0x97: {  	s18 =	sld [smem:$0x3FFB];
	_ =	sdelay $0x3  }
0x98: {  	_ =	strace s18  }
0x99: {  	s4 =	sld [smem:$0x3FFC];
	_ =	sdelay $0x3  }
0x9a: {  	_ =	strace s4  }
0x9b: {  	s4 =	sld [smem:$0x3FFD];
	_ =	sdelay $0x3  }
0x9c: {  	_ =	strace s4  }
0x9d: {  	_ =	strace $0x8FFFFFFF  }
0x9e: {  	s19 =	sld [smem:$0x3FDB];
	_ =	sdelay $0x1  }
0x9f: {  	s5 =	simm.s32 $_scs_section_size  }
0xa0: {  	s6 =	simm.s32 $_size__tile_overlayer_lowered;
	s7 =	simm.s32 $_tile_overlayer_lowered  }
0xa1: {  	s22 =	simm.s32 $0x1BFF;
	s21 =	sshll.u32 s7, $0x1;
	s4 =	sadd.s32 s5, s19  }
0xa2: {  	s8 =	simm.s32 $0x0;
	s20 =	sshll.u32 s6, $0x1;
	s6 =	sadd.s32 s21, s4  }
0xa3: {  	[timem:s8], [sflag:s22] =	dma.local [hbm:s6], s20  }
0xa4: {  	_ =	swait.ge [sflag:s22], s20  }
0xa5: {  	s5 =	ssub.s32 $0x0, s20;
	[sflag:s22] =	ssyncset.done $0x0  }
0xa6: {  	[sflag:s22] =	ssyncadd.s32 s5;
	_ =	sdelay $0x1  }
0xa7: {  	s23 =	simm.s32 $0x1B8B  }
0xa8: {  	_ =	swait.ge [sflag:s23], $0x1  }
0xa9: {  	[sflag:s23] =	ssyncset.done $0x0  }
0xaa: {  	s25 =	simm.s32 $0x1B8E;
	s24 =	sld [smem:$0x3FFE];
	[sflag:s23] =	ssyncadd.s32 $0xFFFFFFFF  }
0xab: {  	s26 =	simm.s32 $execute0_lowered;
	[smem:$0x3FD2] =	sst s25  }
0xac: {  	s6 =	sshll.u32 s26, $0x1;
	_ =	strace $0x80000049;
	[dreg:$0x1] =	wrdreg $0xFFFFFFFF  }
0xad: {  	s28 =	simm.s32 $_size_execute0_lowered;
	s4 =	sadd.s32 s4, s6;
	[dreg:$0x0] =	wrdreg $0x0  }
0xae: {  	s6 =	sshll.u32 s28, $0x1;
	[dreg:$0x2] =	wrdreg s4  }
0xaf: {  	[dreg:$0x3] =	wrdreg s6  }
0xb0: {  	[dreg:$0x4] =	wrdreg $0xC0  }
0xb1: {  	_ =	task [dreg:s8], $0x5FFFF  }
0xb2: {  	[dreg:$0x1] =	wrdreg $0xFFFFFFFF  }
0xb3: {  	[dreg:$0x0] =	wrdreg $0x60  }
0xb4: {  	[dreg:$0x2] =	wrdreg s17  }
0xb5: {  	[dreg:$0x3] =	wrdreg s16  }
0xb6: {  	[dreg:$0x4] =	wrdreg s24  }
0xb7: {  	[dreg:$0x5] =	wrdreg $0xA8000  }
0xb8: {  	[dreg:$0x6] =	wrdreg $0x9  }
0xb9: {  	_ =	task.clear_ibuf [dreg:s8], $0x7FFFF;
	_ =	strace $0x90000049  }
0xba: {  	s29 =	simm.s32 $0x9;
	_ =	strace $0x8000004B  }
0xbb: {  	_ =	swait.ge [sflag:s29], $0x1  }
0xbc: {  	[sflag:s29] =	ssyncadd.s32 $0xFFFFFFFF  }
0xbd: {  	_ =	strace $0x9000004B  }
0xbe: {  	_ =	sfence  }
0xbf: {  	s30 =	sld [smem:$0x0];
	_ =	sdelay $0x2  }
0xc0: {  	s31 =	sshll.u32 s1, $0xD;
	s1 =	sshrl.u32 s1, $0x2  }
0xc1: {  	s3 =	sand.u32 $0x4000, s31;
	s1 =	sadd.s32 s1, s30  }
0xc2: {  	s0 =	sor.u32 s3, s0;
	s1 =	sshll.u32 s1, $0x11  }
0xc3: {  	s0 =	sor.u32 s1, s0  }
0xc4: {  	s0 =	sadd.s32 $0x8F2B, s0  }
0xc5: {  	[sflag:s0] =	ssyncadd.remote.s32 $0x1  }
0xc6: {  	_ =	sfence.sel $0xFFFF  }
0xc7: {  	[dreg:$0x0] =	wrdreg $0xFFFFFFFF;
	(pc) =	sbr.abs _section_cstart, $3  }
0xc8: {  	[dreg:$0x1] =	wrdreg $0xFFFFFFFF  }
0xc9: {  	_ =	task.clear_ibuf [dreg:s8], $0x2FFFF;
	_ =	strace $0x9FFFFFFF  }
0xca: {  	(tm) =	ssettm $0x7FFFFFFF  }
0xcb: {  	_ =	shalt  }
tec
execute0_lowered:
.L_overlay_start_1:
0x0: {  	(tag) =	ssettag $0x1  }
0x1: {  	s11 =	rddreg [dreg:$0x0]  }
0x2: {  	s12 =	rddreg [dreg:$0x1]  }
0x3: {  	s6 =	rddreg [dreg:$0x2]  }
0x4: {  	s0 =	srdreg.scid;
	s2 =	rddreg [dreg:$0x3]  }
0x5: {  	s1 =	stileid.u32;
	s3 =	simm.s32 $0x0;
	s16 =	simm.s32 $0x80  }
0x6: {  	s17 =	simm.s32 $0x2800;
	s18 =	simm.s32 $0x6800;
	s19 =	simm.s32 $0x1  }
0x7: {  	s20 =	simm.s32 $0x2;
	s21 =	simm.s32 $0x2700;
	s22 =	simm.s32 $0x2780  }
0x8: {  	s7 =	sand.u32 $0x1, s0;
	s0 =	rddreg [dreg:$0x4];
	s5 =	smul.u32 $0x14000, s1  }
0x9: {  	s23 =	simm.s32 $0x0;
	[smem:$0x7FF] =	sst s3;
	s10 =	smul.u32 $0x50000, s1  }
0xa: {  	s13 =	sshll.u32 s1, $0x6;
	s4 =	smul.u32 $0x140000, s7;
	s9 =	ssub.s32 $0x2, s7  }
0xb: {  	_ =	strace $0x8000004A;
	s7 =	sshll.u32 s7, $0x4;
	s30 =	sshrl.u32 s9, $0x1  }
0xc: {  	s7 =	sor.u32 s1, s7;
	s10 =	sshrl.u32 s10, $0x2;
	s8 =	sadd.s32 s5, s4  }
0xd: {  	s4 =	sadd.s32 $0x4E00, s6;
	s5 =	sadd.s32 $0x2600, s6;
	s14 =	smul.u32 $0x500, s7  }
0xe: {  	s9 =	ssub.s32 s9, s30;
	s15 =	sadd.s32 s10, s2;
	s8 =	sshrl.u32 s8, $0x3  }
0xf: {  	s8 =	sadd.s32 s8, s6;
	s6 =	sor.u32 $0x1C03, s13;
	s31 =	sadd.s32 $0x280, s14  }
0x10: {  	s10 =	sadd.s32 s12, s14;
	s13 =	sshrl.u32 s15, $0x3;
	s15 =	simm.s32 $0x1400  }
0x11: {  	s7 =	sadd.s32 $0x2CE00, s8;
	s8 =	smax.u32 s9, $0x1;
	s9 =	sadd.s32 s11, s14  }
0x12: {  	s11 =	sadd.s32 s11, s31;
	s12 =	sadd.s32 s12, s31;
	s14 =	simm.s32 $0x3  }
.LBB2_1:
0x13: {  	[spmem:s13], [sflag:s6] =	dma.local [hbm:s5], $0x2800  }
0x14: {  	_ =	swait.ge [sflag:s14], $0x2800  }
0x15: {  	[sflag:s14] =	ssyncset.done $0x0  }
0x16: {  	[sflag:s14] =	ssyncadd.s32 $0xFFFFD800  }
0x17: {  	[bflag:$0x0] =	sbarrier.arrive $0xFFFF  }
0x18: {  	[tilespmem:s3], [sflag:$0x3] =	stream.linear.gather [hbm4b:s9+s3], $0x1400, $0x38;
	[tilespmem:$0x1E800] =	vst v63  }
0x19: {  	_ =	swait.ge [sflag:s14], $0x1400  }
0x1a: {  	[sflag:s14] =	ssyncset.done $0x0  }
0x1b: {  	[sflag:s14] =	ssyncadd.s32 $0xFFFFEC00  }
0x1c: {  	[tilespmem:s15], [sflag:$0x3] =	stream.linear.gather [hbm4b:s10+s3], $0x1400, $0x38;
	[tilespmem:$0x1E800] =	vst v63  }
0x1d: {  	_ =	swait.ge [sflag:s14], $0x1400  }
0x1e: {  	[sflag:s14] =	ssyncset.done $0x0  }
0x1f: {  	[sflag:s14] =	ssyncadd.s32 $0xFFFFEC00  }
0x20: {  	[tilespmem:s17], [sflag:$0x1] =	stream.indirect.gather [hbm4b:s4+s16], $0x80, s3, s16, $0xb8;
	[tilespmem:$0x1E800] =	vst v63  }
0x21: {  	_ = 	snop  }
0x22: {  	[tilespmem:s18], [sflag:$0x2] =	stream.indirect.gather [hbm4b:s4+s16], $0x80, s16, s16, $0xb8;
	[tilespmem:$0x1E800] =	vst v63  }
0x23: {  	_ =	swait.ge [sflag:s19], $0x4000  }
0x24: {  	[sflag:s19] =	ssyncset.done $0x0  }
0x25: {  	s24 =	simm.s32 $0x1400;
	[sflag:s19] =	ssyncadd.s32 $0xFFFFC000  }
0x26: {  	[spmem:s2] =	stream.indirect.scatter.add.f32 [tilespmem:s17], [sflag:$0x3], $0x80, s24, s16, $0xb8;
	[tilespmem:$0x1E800] =	vst v63  }
0x27: {  	_ =	swait.ge [sflag:s14], $0x4000  }
0x28: {  	[sflag:s14] =	ssyncset.done $0x0  }
0x29: {  	s30 =	simm.s32 $0x100;
	[sflag:s14] =	ssyncadd.s32 $0xFFFFC000  }
0x2a: {  	[tilespmem:s17], [sflag:$0x1] =	stream.indirect.gather [hbm4b:s4+s16], $0x80, s30, s16, $0xb8;
	[tilespmem:$0x1E800] =	vst v63  }
0x2b: {  	_ =	swait.ge [sflag:s20], $0x4000  }
0x2c: {  	[sflag:s20] =	ssyncset.done $0x0  }
0x2d: {  	s31 =	simm.s32 $0x1480;
	[sflag:s20] =	ssyncadd.s32 $0xFFFFC000  }
0x2e: {  	[spmem:s2] =	stream.indirect.scatter.add.f32 [tilespmem:s18], [sflag:$0x3], $0x80, s31, s16, $0xb8;
	[tilespmem:$0x1E800] =	vst v63  }
0x2f: {  	_ =	swait.ge [sflag:s14], $0x4000  }
0x30: {  	[sflag:s14] =	ssyncset.done $0x0  }
0x31: {  	s25 =	simm.s32 $0x180;
	s24 =	simm.s32 $0x400;
	[sflag:s14] =	ssyncadd.s32 $0xFFFFC000  }
.LBB2_2:
0x32: {  	[tilespmem:s18], [sflag:$0x2] =	stream.indirect.gather [hbm4b:s4+s16], $0x80, s25, s16, $0xb8;
	[tilespmem:$0x1E800] =	vst v63  }
0x33: {  	s25 =	smov.u32 s24  }
0x34: {  	p0 =	sne.s32 s24, $0x4800;
	s24 =	sadd.s32 $0x400, s24;
	_ =	swait.ge [sflag:s19], $0x4000  }
0x35: {  	s25 =	sshra.s32 s25, $0x2;
	[sflag:s19] =	ssyncset.done $0x0  }
0x36: {  	s26 =	sadd.s32 $0x1400, s25;
	[sflag:s19] =	ssyncadd.s32 $0xFFFFC000  }
0x37: {  	[spmem:s2] =	stream.indirect.scatter.add.f32 [tilespmem:s17], [sflag:$0x3], $0x80, s26, s16, $0xb8;
	[tilespmem:$0x1E800] =	vst v63  }
0x38: {  	_ =	swait.ge [sflag:s14], $0x4000  }
0x39: {  	[sflag:s14] =	ssyncset.done $0x0  }
0x3a: {  	s26 =	sadd.s32 $0x100, s25;
	[sflag:s14] =	ssyncadd.s32 $0xFFFFC000  }
0x3b: {  	[tilespmem:s17], [sflag:$0x1] =	stream.indirect.gather [hbm4b:s4+s16], $0x80, s26, s16, $0xb8;
	[tilespmem:$0x1E800] =	vst v63  }
0x3c: {  	_ =	swait.ge [sflag:s20], $0x4000  }
0x3d: {  	[sflag:s20] =	ssyncset.done $0x0  }
.Ltmp0:
0x3e: {  	s26 =	sadd.s32 $0x1480, s25;
	[sflag:s20] =	ssyncadd.s32 $0xFFFFC000;
	(pc) =	sbr.rel @p0 .LBB2_2-.Ltmp0, $4  }
0x3f: {  	[spmem:s2] =	stream.indirect.scatter.add.f32 [tilespmem:s18], [sflag:$0x3], $0x80, s26, s16, $0xb8;
	[tilespmem:$0x1E800] =	vst v63  }
0x40: {  	_ =	swait.ge [sflag:s14], $0x4000  }
0x41: {  	[sflag:s14] =	ssyncset.done $0x0  }
0x42: {  	s25 =	sadd.s32 $0x180, s25;
	[sflag:s14] =	ssyncadd.s32 $0xFFFFC000  }
0x43: {  	[tilespmem:s18], [sflag:$0x2] =	stream.indirect.gather [hbm4b:s4+s16], $0x80, s25, s16, $0xb8;
	[tilespmem:$0x1E800] =	vst v63  }
0x44: {  	_ =	swait.ge [sflag:s19], $0x4000  }
0x45: {  	[sflag:s19] =	ssyncset.done $0x0  }
0x46: {  	[sflag:s19] =	ssyncadd.s32 $0xFFFFC000  }
0x47: {  	[spmem:s2] =	stream.indirect.scatter.add.f32 [tilespmem:s17], [sflag:$0x3], $0x80, s21, s16, $0xb8;
	[tilespmem:$0x1E800] =	vst v63  }
0x48: {  	_ =	swait.ge [sflag:s14], $0x4000  }
0x49: {  	[sflag:s14] =	ssyncset.done $0x0  }
0x4a: {  	[sflag:s14] =	ssyncadd.s32 $0xFFFFC000  }
0x4b: {  	_ =	swait.ge [sflag:s20], $0x4000  }
0x4c: {  	[sflag:s20] =	ssyncset.done $0x0  }
0x4d: {  	[sflag:s20] =	ssyncadd.s32 $0xFFFFC000  }
0x4e: {  	[spmem:s2] =	stream.indirect.scatter.add.f32 [tilespmem:s18], [sflag:$0x3], $0x80, s22, s16, $0xb8;
	[tilespmem:$0x1E800] =	vst v63  }
0x4f: {  	_ =	swait.ge [sflag:s14], $0x4000  }
0x50: {  	[sflag:s14] =	ssyncset.done $0x0  }
0x51: {  	s24 =	simm.s32 $0x0;
	[sflag:s14] =	ssyncadd.s32 $0xFFFFC000  }
0x52: {  	[tilespmem:s24], [sflag:$0x3] =	stream.linear.gather [hbm4b:s11+s24], $0x1400, $0x38;
	[tilespmem:$0x1E800] =	vst v63  }
0x53: {  	_ =	swait.ge [sflag:s14], $0x1400  }
0x54: {  	[sflag:s14] =	ssyncset.done $0x0  }
0x55: {  	[sflag:s14] =	ssyncadd.s32 $0xFFFFEC00  }
0x56: {  	[tilespmem:s15], [sflag:$0x3] =	stream.linear.gather [hbm4b:s12+s24], $0x1400, $0x38;
	[tilespmem:$0x1E800] =	vst v63  }
0x57: {  	_ =	swait.ge [sflag:s14], $0x1400  }
0x58: {  	[sflag:s14] =	ssyncset.done $0x0  }
0x59: {  	[sflag:s14] =	ssyncadd.s32 $0xFFFFEC00  }
0x5a: {  	[tilespmem:s17], [sflag:$0x1] =	stream.indirect.gather [hbm4b:s4+s16], $0x80, s24, s16, $0xb8;
	[tilespmem:$0x1E800] =	vst v63  }
0x5b: {  	_ = 	snop  }
0x5c: {  	[tilespmem:s18], [sflag:$0x2] =	stream.indirect.gather [hbm4b:s4+s16], $0x80, s16, s16, $0xb8;
	[tilespmem:$0x1E800] =	vst v63  }
0x5d: {  	_ =	swait.ge [sflag:s19], $0x4000  }
0x5e: {  	[sflag:s19] =	ssyncset.done $0x0  }
0x5f: {  	s29 =	simm.s32 $0x1400;
	[sflag:s19] =	ssyncadd.s32 $0xFFFFC000  }
0x60: {  	[spmem:s2] =	stream.indirect.scatter.add.f32 [tilespmem:s17], [sflag:$0x3], $0x80, s29, s16, $0xb8;
	[tilespmem:$0x1E800] =	vst v63  }
0x61: {  	_ =	swait.ge [sflag:s14], $0x4000  }
0x62: {  	[sflag:s14] =	ssyncset.done $0x0  }
0x63: {  	s30 =	simm.s32 $0x100;
	[sflag:s14] =	ssyncadd.s32 $0xFFFFC000  }
0x64: {  	[tilespmem:s17], [sflag:$0x1] =	stream.indirect.gather [hbm4b:s4+s16], $0x80, s30, s16, $0xb8;
	[tilespmem:$0x1E800] =	vst v63  }
0x65: {  	_ =	swait.ge [sflag:s20], $0x4000  }
0x66: {  	[sflag:s20] =	ssyncset.done $0x0  }
0x67: {  	s31 =	simm.s32 $0x1480;
	[sflag:s20] =	ssyncadd.s32 $0xFFFFC000  }
0x68: {  	[spmem:s2] =	stream.indirect.scatter.add.f32 [tilespmem:s18], [sflag:$0x3], $0x80, s31, s16, $0xb8;
	[tilespmem:$0x1E800] =	vst v63  }
0x69: {  	_ =	swait.ge [sflag:s14], $0x4000  }
0x6a: {  	[sflag:s14] =	ssyncset.done $0x0  }
0x6b: {  	s25 =	simm.s32 $0x180;
	s24 =	simm.s32 $0x400;
	[sflag:s14] =	ssyncadd.s32 $0xFFFFC000  }
.LBB2_4:
0x6c: {  	[tilespmem:s18], [sflag:$0x2] =	stream.indirect.gather [hbm4b:s4+s16], $0x80, s25, s16, $0xb8;
	[tilespmem:$0x1E800] =	vst v63  }
0x6d: {  	s25 =	smov.u32 s24  }
0x6e: {  	p0 =	sne.s32 s24, $0x4800;
	s24 =	sadd.s32 $0x400, s24;
	_ =	swait.ge [sflag:s19], $0x4000  }
0x6f: {  	s25 =	sshra.s32 s25, $0x2;
	[sflag:s19] =	ssyncset.done $0x0  }
0x70: {  	s26 =	sadd.s32 $0x1400, s25;
	[sflag:s19] =	ssyncadd.s32 $0xFFFFC000  }
0x71: {  	[spmem:s2] =	stream.indirect.scatter.add.f32 [tilespmem:s17], [sflag:$0x3], $0x80, s26, s16, $0xb8;
	[tilespmem:$0x1E800] =	vst v63  }
0x72: {  	_ =	swait.ge [sflag:s14], $0x4000  }
0x73: {  	[sflag:s14] =	ssyncset.done $0x0  }
0x74: {  	s26 =	sadd.s32 $0x100, s25;
	[sflag:s14] =	ssyncadd.s32 $0xFFFFC000  }
0x75: {  	[tilespmem:s17], [sflag:$0x1] =	stream.indirect.gather [hbm4b:s4+s16], $0x80, s26, s16, $0xb8;
	[tilespmem:$0x1E800] =	vst v63  }
0x76: {  	_ =	swait.ge [sflag:s20], $0x4000  }
0x77: {  	[sflag:s20] =	ssyncset.done $0x0  }
.Ltmp1:
0x78: {  	s26 =	sadd.s32 $0x1480, s25;
	[sflag:s20] =	ssyncadd.s32 $0xFFFFC000;
	(pc) =	sbr.rel @p0 .LBB2_4-.Ltmp1, $4  }
0x79: {  	[spmem:s2] =	stream.indirect.scatter.add.f32 [tilespmem:s18], [sflag:$0x3], $0x80, s26, s16, $0xb8;
	[tilespmem:$0x1E800] =	vst v63  }
0x7a: {  	_ =	swait.ge [sflag:s14], $0x4000  }
0x7b: {  	[sflag:s14] =	ssyncset.done $0x0  }
0x7c: {  	s25 =	sadd.s32 $0x180, s25;
	[sflag:s14] =	ssyncadd.s32 $0xFFFFC000  }
0x7d: {  	[tilespmem:s18], [sflag:$0x2] =	stream.indirect.gather [hbm4b:s4+s16], $0x80, s25, s16, $0xb8;
	[tilespmem:$0x1E800] =	vst v63  }
0x7e: {  	_ =	swait.ge [sflag:s19], $0x4000  }
0x7f: {  	[sflag:s19] =	ssyncset.done $0x0  }
0x80: {  	[sflag:s19] =	ssyncadd.s32 $0xFFFFC000  }
0x81: {  	[spmem:s2] =	stream.indirect.scatter.add.f32 [tilespmem:s17], [sflag:$0x3], $0x80, s21, s16, $0xb8;
	[tilespmem:$0x1E800] =	vst v63  }
0x82: {  	_ =	swait.ge [sflag:s14], $0x4000  }
0x83: {  	[sflag:s14] =	ssyncset.done $0x0  }
0x84: {  	[sflag:s14] =	ssyncadd.s32 $0xFFFFC000  }
0x85: {  	_ =	swait.ge [sflag:s20], $0x4000  }
0x86: {  	[sflag:s20] =	ssyncset.done $0x0  }
0x87: {  	[sflag:s20] =	ssyncadd.s32 $0xFFFFC000  }
0x88: {  	[spmem:s2] =	stream.indirect.scatter.add.f32 [tilespmem:s18], [sflag:$0x3], $0x80, s22, s16, $0xb8;
	[tilespmem:$0x1E800] =	vst v63  }
0x89: {  	_ =	swait.ge [sflag:s14], $0x4000  }
0x8a: {  	s23 =	sadd.s32 $0x1, s23;
	[sflag:s14] =	ssyncset.done $0x0  }
0x8b: {  	p0 =	sne.s32 s23, s8;
	[sflag:s14] =	ssyncadd.s32 $0xFFFFC000  }
.Ltmp2:
0x8c: {  	[bflag:$0x0] =	sbarrier.arrive $0xFFFF;
	(pc) =	sbr.rel @p0 .LBB2_1-.Ltmp2, $4  }
0x8d: {  	[hbm:s7], [sflag:s6] =	dma.local [spmem:s13], $0x2800  }
0x8e: {  	_ =	swait.ge [sflag:s14], $0x2800  }
0x8f: {  	[sflag:s14] =	ssyncset.done $0x0  }
0x90: {  	[sflag:s14] =	ssyncadd.s32 $0xFFFFD800  }
0x91: {  	_ =	sfence.sel $0x180000  }
0x92: {  	[bflag:$0x0] =	sbarrier.arrive $0xFFFF  }
0x93: {  	p0 =	sne.s32 s1, $0x0;
	_ =	strace $0x9000004A  }
0x94: {  	s0 =	sadd.s32 @!p0 $0x100000, s0;
	[bflag:$0x2] =	sbarrier.arrive $0xFFFF  }
0x95: {  	[sflag:s0] =	ssyncadd.tile.s32 @!p0 $0x1;
	_ =	shalt  }
.Lfunc_end2:
_tile_overlayer_lowered:
.L_overlay_start_2:
0x96: {  	(tag) =	ssettag $0x2  }
0x97: {  	s0 =	rddreg [dreg:$0x0];
	s2 =	stileid.u32  }
0x98: {  	s1 =	rddreg [dreg:$0x1];
	p0 =	sne.s32 s2, $0x0  }
0x99: {  	s3 =	rddreg [dreg:$0x2];
	[bflag:$0x3] =	sbarrier.arrive $0xFFFF;
	s2 =	simm.s32 @!p0 $0x1C03  }
0x9a: {  	[timem:s3], [sflag:s2] =	dma.local @!p0 [hbm:s0], s1  }
0x9b: {  	s0 =	simm.s32 @!p0 $0x3  }
0x9c: {  	_ =	swait.ge @!p0 [sflag:s0], s1  }
0x9d: {  	s1 =	ssub.s32 @!p0 $0x0, s1;
	[sflag:s0] =	ssyncset.done @!p0 $0x0  }
0x9e: {  	[sflag:s0] =	ssyncadd.s32 @!p0 s1  }
0x9f: {  	[bflag:$0x3] =	sbarrier.arrive $0xFFFF  }
0xa0: {  	_ =	shalt  }

// kernel: kernel.15.cloned.1.call-start
scs
__scs_entry_jumppad:
0x0: {  	(pc) =	sbr.rel $0x88, $3  }
0x1: {  	(tag) =	ssettag $0x0;
	lr =	simm.s32 $0x1  }
0x2: {  	[smem:$0x3F99] =	sst lr;
	_ =	strace $0xD0000000  }
0x3: {  	_ = 	snop  }
0x4: {  	_ = 	snop  }
0x5: {  	_ = 	snop  }
0x6: {  	_ = 	snop  }
0x7: {  	_ = 	snop  }
__scs_overlays_trampoline_lowered:
0x8: {  	[smem:$0x3FA8] =	sst s0  }
0x9: {  	[smem:$0x3FA9] =	sst s1  }
0xa: {  	[smem:$0x3FAA] =	sst s2  }
0xb: {  	[smem:$0x3FAB] =	sst s3  }
0xc: {  	[smem:$0x3FAC] =	sst s4  }
0xd: {  	[smem:$0x3FAD] =	sst s5  }
0xe: {  	[smem:$0x3FAE] =	sst s6  }
0xf: {  	[smem:$0x3FAF] =	sst s7  }
0x10: {  	[smem:$0x3FB0] =	sst s8  }
0x11: {  	[smem:$0x3FB1] =	sst s9;
	s0 =	simm.s32 @!p0 $0x0  }
0x12: {  	s1 =	sld [smem:$0x3F97];
	s0 =	simm.s32 @p0 $0x1  }
0x13: {  	[smem:$0x3FB2] =	sst s0;
	s0 =	simm.s32 @!p1 $0x0  }
0x14: {  	s2 =	sld [smem:$0x3F96];
	s0 =	simm.s32 @p1 $0x1  }
0x15: {  	[smem:$0x3FB3] =	sst s0;
	s0 =	simm.s32 @!p2 $0x0  }
0x16: {  	s3 =	sld [smem:$0x3FDB];
	s0 =	simm.s32 @p2 $0x1  }
0x17: {  	s4 =	simm.s32 $0x1BF5;
	[smem:$0x3FB5] =	sst s0  }
0x18: {  	s0 =	sld [smem:$0x3F98];
	_ =	swait.ge [sflag:s4], $0x0  }
0x19: {  	s7 =	sld [smem:$0x3F99]  }
0x1a: {  	s8 =	sadd.s32 $0xFFFFE003, lr  }
0x1b: {  	s9 =	sadd.s32 $0xFFFFFEF7, lr;
	s5 =	simm.s32 $0xFFFFFFFF;
	p2 =	slt.u32 s8, $0xFFFFF086  }
0x1c: {  	p1 =	slt.u32 s9, $0xF7A;
	s5 =	simm.s32 @!p2 $0x0  }
0x1d: {  	s5 =	simm.s32 @p1 $0x1;
	p0 =	seq.s32 s7, s2  }
0x1e: {  	s7 =	smul.u32 @!p0 $0xF7A, s2;
	p2 =	seq.s32 @!p0 s5, $0x0  }
0x1f: {  	s9 =	smul.u32 $0xF7A, s1;
	s8 =	simm.s32 @!p0 $0x1BF5;
	p2 =	por !p2, p0  }
0x20: {  	[sflag:s8] =	ssyncset.s32 @!p0 $0xFFFFF086;
	s6 =	sadd.s32 @!p0 s3, s7;
	s7 =	simm.s32 @!p0 $0x108  }
0x21: {  	s3 =	sadd.s32 s3, s9;
	s6 =	sadd.s32 @!p0 $0x88, s6;
	s7 =	simm.s32 @p2 $0x1082  }
0x22: {  	[simem:s7], [sflag:s8] =	dma.local @!p0 [hbm:s6], $0xF7A  }
0x23: {  	s9 =	sor.u32 $0xD0000000, s2;
	s6 =	simm.s32 $0x108;
	_ =	swait.ge @!p0 [sflag:s8], $0x0  }
0x24: {  	s3 =	sadd.s32 $0x88, s3;
	s6 =	simm.s32 @!p1 $0x1082;
	[sflag:s4] =	ssyncset.s32 $0xFFFFF086  }
0x25: {  	[simem:s6], [sflag:s4] =	dma.local [hbm:s3], $0xF7A  }
0x26: {  	[smem:$0x3F99] =	sst s1;
	(tag) =	ssettag s2;
	_ =	strace s9  }
0x27: {  	s1 =	sld [smem:$0x3FA9]  }
0x28: {  	s2 =	sld [smem:$0x3FAA]  }
0x29: {  	s4 =	sld [smem:$0x3FAC]  }
0x2a: {  	p0 =	seq.s32 s5, $0x0;
	s5 =	sld [smem:$0x3FAD]  }
0x2b: {  	s6 =	sld [smem:$0x3FAE]  }
0x2c: {  	s7 =	sld [smem:$0x3FAF]  }
0x2d: {  	s3 =	simm.s32 $0x108;
	s8 =	sld [smem:$0x3FB0]  }
0x2e: {  	s3 =	simm.s32 @!p0 $0x1082;
	s9 =	sld [smem:$0x3FB1]  }
0x2f: {  	lr =	sadd.s32 s0, s3;
	s0 =	sld [smem:$0x3FA8]  }
0x30: {  	s3 =	sld [smem:$0x3FAB]  }
0x31: {  	[smem:$0x3FB4] =	sst s10  }
0x32: {  	s10 =	sld [smem:$0x3FB2];
	_ =	sdelay $0x3  }
0x33: {  	p0 =	seq.s32 s10, $0x1;
	s10 =	sld [smem:$0x3FB4];
	_ =	sdelay $0x3  }
0x34: {  	[smem:$0x3FB4] =	sst s10  }
0x35: {  	s10 =	sld [smem:$0x3FB3];
	_ =	sdelay $0x3  }
0x36: {  	p1 =	seq.s32 s10, $0x1;
	s10 =	sld [smem:$0x3FB4];
	_ =	sdelay $0x3  }
0x37: {  	[smem:$0x3FB4] =	sst s10  }
0x38: {  	s10 =	sld [smem:$0x3FB5]  }
0x39: {  	_ = 	snop;
	(pc) =	sbr.ind lr, $3  }
0x3a: {  	_ = 	snop  }
0x3b: {  	_ = 	snop  }
0x3c: {  	p2 =	seq.s32 s10, $0x1;
	s10 =	sld [smem:$0x3FB4]  }
0x3d: {  	_ =	shalt  }
0x3e: {  	_ =	shalt  }
0x3f: {  	_ =	shalt  }
0x40: {  	_ =	shalt  }
0x41: {  	_ =	shalt  }
0x42: {  	_ =	shalt  }
0x43: {  	_ =	shalt  }
0x44: {  	_ =	shalt  }
0x45: {  	_ =	shalt  }
0x46: {  	_ =	shalt  }
0x47: {  	_ =	shalt  }
0x48: {  	_ =	shalt  }
0x49: {  	_ =	shalt  }
0x4a: {  	_ =	shalt  }
0x4b: {  	_ =	shalt  }
0x4c: {  	_ =	shalt  }
0x4d: {  	_ =	shalt  }
0x4e: {  	_ =	shalt  }
0x4f: {  	_ =	shalt  }
0x50: {  	_ =	shalt  }
0x51: {  	_ =	shalt  }
0x52: {  	_ =	shalt  }
0x53: {  	_ =	shalt  }
0x54: {  	_ =	shalt  }
0x55: {  	_ =	shalt  }
0x56: {  	_ =	shalt  }
0x57: {  	_ =	shalt  }
0x58: {  	_ =	shalt  }
0x59: {  	_ =	shalt  }
0x5a: {  	_ =	shalt  }
0x5b: {  	_ =	shalt  }
0x5c: {  	_ =	shalt  }
0x5d: {  	_ =	shalt  }
0x5e: {  	_ =	shalt  }
0x5f: {  	_ =	shalt  }
0x60: {  	_ =	shalt  }
0x61: {  	_ =	shalt  }
0x62: {  	_ =	shalt  }
0x63: {  	_ =	shalt  }
0x64: {  	_ =	shalt  }
0x65: {  	_ =	shalt  }
0x66: {  	_ =	shalt  }
0x67: {  	_ =	shalt  }
0x68: {  	_ =	shalt  }
0x69: {  	_ =	shalt  }
0x6a: {  	_ =	shalt  }
0x6b: {  	_ =	shalt  }
0x6c: {  	_ =	shalt  }
0x6d: {  	_ =	shalt  }
0x6e: {  	_ =	shalt  }
0x6f: {  	_ =	shalt  }
0x70: {  	_ =	shalt  }
0x71: {  	_ =	shalt  }
0x72: {  	_ =	shalt  }
0x73: {  	_ =	shalt  }
0x74: {  	_ =	shalt  }
0x75: {  	_ =	shalt  }
0x76: {  	_ =	shalt  }
0x77: {  	_ =	shalt  }
0x78: {  	_ =	shalt  }
0x79: {  	_ =	shalt  }
0x7a: {  	_ =	shalt  }
0x7b: {  	_ =	shalt  }
0x7c: {  	_ =	shalt  }
0x7d: {  	_ =	shalt  }
0x7e: {  	_ =	shalt  }
0x7f: {  	_ =	shalt  }
0x80: {  	_ =	shalt  }
0x81: {  	_ =	shalt  }
0x82: {  	_ =	shalt  }
0x83: {  	_ =	shalt  }
0x84: {  	_ =	shalt  }
0x85: {  	_ =	shalt  }
0x86: {  	_ =	shalt  }
0x87: {  	_ =	shalt  }
.Lfunc_end0:
.L_simem_size_0:
called_computation.2_lowered:
.L_overlay_start_0:
0x88: {  	s2 =	sld [smem:$0x3FD9]  }
0x89: {  	s3 =	sld [smem:$0x3FFE];
	_ =	sdelay $0x1  }
0x8a: {  	s1 =	srdreg.scid  }
0x8b: {  	s0 =	sand.u32 $0x1, s1  }
0x8c: {  	s14 =	sshll.u32 s0, $0xA;
	s2 =	sadd.s32 s3, s2  }
0x8d: {  	s2 =	sadd.s32 s2, s14  }
0x8e: {  	[smem:$0x3FC0] =	sst s2  }
0x8f: {  	_ = 	snop  }
0x90: {  	s2 =	sld [smem:$0x3FD0];
	_ =	sdelay $0x2  }
0x91: {  	s15 =	simm.s32 $0xA;
	s4 =	simm.s32 $0x10  }
0x92: {  	[smem:s4], [sflag:s15] =	dma.local [hbm:s2], $0x1  }
0x93: {  	_ =	swait.eq [sflag:s15], $0x1  }
0x94: {  	[sflag:s15] =	ssyncset.done $0x0  }
0x95: {  	s16 =	sld [smem:$0x10];
	[sflag:s15] =	ssyncadd.s32 $0xFFFFFFFF  }
0x96: {  	s17 =	sld [smem:$0x11];
	(tm) =	ssettm $0x1  }
0x97: {  	s18 =	sld [smem:$0x3FFB];
	_ =	sdelay $0x3  }
0x98: {  	_ =	strace s18  }
0x99: {  	s4 =	sld [smem:$0x3FFC];
	_ =	sdelay $0x3  }
0x9a: {  	_ =	strace s4  }
0x9b: {  	s4 =	sld [smem:$0x3FFD];
	_ =	sdelay $0x3  }
0x9c: {  	_ =	strace s4  }
0x9d: {  	_ =	strace $0x8FFFFFFF  }
0x9e: {  	s19 =	sld [smem:$0x3FDB];
	_ =	sdelay $0x1  }
0x9f: {  	s5 =	simm.s32 $_scs_section_size  }
0xa0: {  	s6 =	simm.s32 $_size__tile_overlayer_lowered;
	s7 =	simm.s32 $_tile_overlayer_lowered  }
0xa1: {  	s22 =	simm.s32 $0x1BFF;
	s21 =	sshll.u32 s7, $0x1;
	s4 =	sadd.s32 s5, s19  }
0xa2: {  	s8 =	simm.s32 $0x0;
	s20 =	sshll.u32 s6, $0x1;
	s6 =	sadd.s32 s21, s4  }
0xa3: {  	[timem:s8], [sflag:s22] =	dma.local [hbm:s6], s20  }
0xa4: {  	_ =	swait.ge [sflag:s22], s20  }
0xa5: {  	s5 =	ssub.s32 $0x0, s20;
	[sflag:s22] =	ssyncset.done $0x0  }
0xa6: {  	[sflag:s22] =	ssyncadd.s32 s5;
	_ =	sdelay $0x1  }
0xa7: {  	s23 =	simm.s32 $0x1B8B  }
0xa8: {  	_ =	swait.ge [sflag:s23], $0x1  }
0xa9: {  	[sflag:s23] =	ssyncset.done $0x0  }
0xaa: {  	s25 =	simm.s32 $0x1B8E;
	s24 =	sld [smem:$0x3FFE];
	[sflag:s23] =	ssyncadd.s32 $0xFFFFFFFF  }
0xab: {  	s26 =	simm.s32 $execute0_lowered;
	[smem:$0x3FD2] =	sst s25  }
0xac: {  	s6 =	sshll.u32 s26, $0x1;
	_ =	strace $0x8000004C;
	[dreg:$0x1] =	wrdreg $0xFFFFFFFF  }
0xad: {  	s28 =	simm.s32 $_size_execute0_lowered;
	s4 =	sadd.s32 s4, s6;
	[dreg:$0x0] =	wrdreg $0x0  }
0xae: {  	s6 =	sshll.u32 s28, $0x1;
	[dreg:$0x2] =	wrdreg s4  }
0xaf: {  	[dreg:$0x3] =	wrdreg s6  }
0xb0: {  	[dreg:$0x4] =	wrdreg $0xC0  }
0xb1: {  	_ =	task [dreg:s8], $0x5FFFF  }
0xb2: {  	[dreg:$0x1] =	wrdreg $0xFFFFFFFF  }
0xb3: {  	[dreg:$0x0] =	wrdreg $0x60  }
0xb4: {  	[dreg:$0x2] =	wrdreg s17  }
0xb5: {  	[dreg:$0x3] =	wrdreg s16  }
0xb6: {  	[dreg:$0x4] =	wrdreg s24  }
0xb7: {  	[dreg:$0x5] =	wrdreg $0xA8000  }
0xb8: {  	[dreg:$0x6] =	wrdreg $0x9  }
0xb9: {  	_ =	task.clear_ibuf [dreg:s8], $0x7FFFF;
	_ =	strace $0x9000004C  }
0xba: {  	s29 =	simm.s32 $0x9;
	_ =	strace $0x8000004E  }
0xbb: {  	_ =	swait.ge [sflag:s29], $0x1  }
0xbc: {  	[sflag:s29] =	ssyncadd.s32 $0xFFFFFFFF  }
0xbd: {  	_ =	strace $0x9000004E  }
0xbe: {  	_ =	sfence  }
0xbf: {  	s30 =	sld [smem:$0x0];
	_ =	sdelay $0x2  }
0xc0: {  	s31 =	sshll.u32 s1, $0xD;
	s1 =	sshrl.u32 s1, $0x2  }
0xc1: {  	s3 =	sand.u32 $0x4000, s31;
	s1 =	sadd.s32 s1, s30  }
0xc2: {  	s0 =	sor.u32 s3, s0;
	s1 =	sshll.u32 s1, $0x11  }
0xc3: {  	s0 =	sor.u32 s1, s0  }
0xc4: {  	s0 =	sadd.s32 $0x8F2B, s0  }
0xc5: {  	[sflag:s0] =	ssyncadd.remote.s32 $0x1  }
0xc6: {  	_ =	sfence.sel $0xFFFF  }
0xc7: {  	[dreg:$0x0] =	wrdreg $0xFFFFFFFF;
	(pc) =	sbr.abs _section_cstart, $3  }
0xc8: {  	[dreg:$0x1] =	wrdreg $0xFFFFFFFF  }
0xc9: {  	_ =	task.clear_ibuf [dreg:s8], $0x2FFFF;
	_ =	strace $0x9FFFFFFF  }
0xca: {  	(tm) =	ssettm $0x7FFFFFFF  }
0xcb: {  	_ =	shalt  }
tec
execute0_lowered:
.L_overlay_start_1:
0x0: {  	(tag) =	ssettag $0x1  }
0x1: {  	s11 =	rddreg [dreg:$0x0]  }
0x2: {  	s12 =	rddreg [dreg:$0x1]  }
0x3: {  	s6 =	rddreg [dreg:$0x2]  }
0x4: {  	s0 =	srdreg.scid;
	s2 =	rddreg [dreg:$0x3]  }
0x5: {  	s1 =	stileid.u32;
	s3 =	simm.s32 $0x0;
	s16 =	simm.s32 $0x80  }
0x6: {  	s17 =	simm.s32 $0x2800;
	s18 =	simm.s32 $0x6800;
	s19 =	simm.s32 $0x1  }
0x7: {  	s20 =	simm.s32 $0x2;
	s21 =	simm.s32 $0x2700;
	s22 =	simm.s32 $0x2780  }
0x8: {  	s7 =	sand.u32 $0x1, s0;
	s0 =	rddreg [dreg:$0x4];
	s5 =	smul.u32 $0x14000, s1  }
0x9: {  	s23 =	simm.s32 $0x0;
	[smem:$0x7FF] =	sst s3;
	s10 =	smul.u32 $0x50000, s1  }
0xa: {  	s13 =	sshll.u32 s1, $0x6;
	s4 =	smul.u32 $0x140000, s7;
	s9 =	ssub.s32 $0x2, s7  }
0xb: {  	_ =	strace $0x8000004D;
	s7 =	sshll.u32 s7, $0x4;
	s30 =	sshrl.u32 s9, $0x1  }
0xc: {  	s7 =	sor.u32 s1, s7;
	s10 =	sshrl.u32 s10, $0x2;
	s8 =	sadd.s32 s5, s4  }
0xd: {  	s4 =	sadd.s32 $0x4E00, s6;
	s5 =	sadd.s32 $0x2600, s6;
	s14 =	smul.u32 $0x500, s7  }
0xe: {  	s9 =	ssub.s32 s9, s30;
	s15 =	sadd.s32 s10, s2;
	s8 =	sshrl.u32 s8, $0x3  }
0xf: {  	s8 =	sadd.s32 s8, s6;
	s6 =	sor.u32 $0x1C03, s13;
	s31 =	sadd.s32 $0x280, s14  }
0x10: {  	s10 =	sadd.s32 s12, s14;
	s13 =	sshrl.u32 s15, $0x3;
	s15 =	simm.s32 $0x1400  }
0x11: {  	s7 =	sadd.s32 $0x2CE00, s8;
	s8 =	smax.u32 s9, $0x1;
	s9 =	sadd.s32 s11, s14  }
0x12: {  	s11 =	sadd.s32 s11, s31;
	s12 =	sadd.s32 s12, s31;
	s14 =	simm.s32 $0x3  }
.LBB2_1:
0x13: {  	[spmem:s13], [sflag:s6] =	dma.local [hbm:s5], $0x2800  }
0x14: {  	_ =	swait.ge [sflag:s14], $0x2800  }
0x15: {  	[sflag:s14] =	ssyncset.done $0x0  }
0x16: {  	[sflag:s14] =	ssyncadd.s32 $0xFFFFD800  }
0x17: {  	[bflag:$0x0] =	sbarrier.arrive $0xFFFF  }
0x18: {  	[tilespmem:s3], [sflag:$0x3] =	stream.linear.gather [hbm4b:s9+s3], $0x1400, $0x38;
	[tilespmem:$0x1E800] =	vst v63  }
0x19: {  	_ =	swait.ge [sflag:s14], $0x1400  }
0x1a: {  	[sflag:s14] =	ssyncset.done $0x0  }
0x1b: {  	[sflag:s14] =	ssyncadd.s32 $0xFFFFEC00  }
0x1c: {  	[tilespmem:s15], [sflag:$0x3] =	stream.linear.gather [hbm4b:s10+s3], $0x1400, $0x38;
	[tilespmem:$0x1E800] =	vst v63  }
0x1d: {  	_ =	swait.ge [sflag:s14], $0x1400  }
0x1e: {  	[sflag:s14] =	ssyncset.done $0x0  }
0x1f: {  	[sflag:s14] =	ssyncadd.s32 $0xFFFFEC00  }
0x20: {  	[tilespmem:s17], [sflag:$0x1] =	stream.indirect.gather [hbm4b:s4+s16], $0x80, s3, s16, $0xb8;
	[tilespmem:$0x1E800] =	vst v63  }
0x21: {  	_ = 	snop  }
0x22: {  	[tilespmem:s18], [sflag:$0x2] =	stream.indirect.gather [hbm4b:s4+s16], $0x80, s16, s16, $0xb8;
	[tilespmem:$0x1E800] =	vst v63  }
0x23: {  	_ =	swait.ge [sflag:s19], $0x4000  }
0x24: {  	[sflag:s19] =	ssyncset.done $0x0  }
0x25: {  	s24 =	simm.s32 $0x1400;
	[sflag:s19] =	ssyncadd.s32 $0xFFFFC000  }
0x26: {  	[spmem:s2] =	stream.indirect.scatter.add.f32 [tilespmem:s17], [sflag:$0x3], $0x80, s24, s16, $0xb8;
	[tilespmem:$0x1E800] =	vst v63  }
0x27: {  	_ =	swait.ge [sflag:s14], $0x4000  }
0x28: {  	[sflag:s14] =	ssyncset.done $0x0  }
0x29: {  	s30 =	simm.s32 $0x100;
	[sflag:s14] =	ssyncadd.s32 $0xFFFFC000  }
0x2a: {  	[tilespmem:s17], [sflag:$0x1] =	stream.indirect.gather [hbm4b:s4+s16], $0x80, s30, s16, $0xb8;
	[tilespmem:$0x1E800] =	vst v63  }
0x2b: {  	_ =	swait.ge [sflag:s20], $0x4000  }
0x2c: {  	[sflag:s20] =	ssyncset.done $0x0  }
0x2d: {  	s31 =	simm.s32 $0x1480;
	[sflag:s20] =	ssyncadd.s32 $0xFFFFC000  }
0x2e: {  	[spmem:s2] =	stream.indirect.scatter.add.f32 [tilespmem:s18], [sflag:$0x3], $0x80, s31, s16, $0xb8;
	[tilespmem:$0x1E800] =	vst v63  }
0x2f: {  	_ =	swait.ge [sflag:s14], $0x4000  }
0x30: {  	[sflag:s14] =	ssyncset.done $0x0  }
0x31: {  	s25 =	simm.s32 $0x180;
	s24 =	simm.s32 $0x400;
	[sflag:s14] =	ssyncadd.s32 $0xFFFFC000  }
.LBB2_2:
0x32: {  	[tilespmem:s18], [sflag:$0x2] =	stream.indirect.gather [hbm4b:s4+s16], $0x80, s25, s16, $0xb8;
	[tilespmem:$0x1E800] =	vst v63  }
0x33: {  	s25 =	smov.u32 s24  }
0x34: {  	p0 =	sne.s32 s24, $0x4800;
	s24 =	sadd.s32 $0x400, s24;
	_ =	swait.ge [sflag:s19], $0x4000  }
0x35: {  	s25 =	sshra.s32 s25, $0x2;
	[sflag:s19] =	ssyncset.done $0x0  }
0x36: {  	s26 =	sadd.s32 $0x1400, s25;
	[sflag:s19] =	ssyncadd.s32 $0xFFFFC000  }
0x37: {  	[spmem:s2] =	stream.indirect.scatter.add.f32 [tilespmem:s17], [sflag:$0x3], $0x80, s26, s16, $0xb8;
	[tilespmem:$0x1E800] =	vst v63  }
0x38: {  	_ =	swait.ge [sflag:s14], $0x4000  }
0x39: {  	[sflag:s14] =	ssyncset.done $0x0  }
0x3a: {  	s26 =	sadd.s32 $0x100, s25;
	[sflag:s14] =	ssyncadd.s32 $0xFFFFC000  }
0x3b: {  	[tilespmem:s17], [sflag:$0x1] =	stream.indirect.gather [hbm4b:s4+s16], $0x80, s26, s16, $0xb8;
	[tilespmem:$0x1E800] =	vst v63  }
0x3c: {  	_ =	swait.ge [sflag:s20], $0x4000  }
0x3d: {  	[sflag:s20] =	ssyncset.done $0x0  }
.Ltmp0:
0x3e: {  	s26 =	sadd.s32 $0x1480, s25;
	[sflag:s20] =	ssyncadd.s32 $0xFFFFC000;
	(pc) =	sbr.rel @p0 .LBB2_2-.Ltmp0, $4  }
0x3f: {  	[spmem:s2] =	stream.indirect.scatter.add.f32 [tilespmem:s18], [sflag:$0x3], $0x80, s26, s16, $0xb8;
	[tilespmem:$0x1E800] =	vst v63  }
0x40: {  	_ =	swait.ge [sflag:s14], $0x4000  }
0x41: {  	[sflag:s14] =	ssyncset.done $0x0  }
0x42: {  	s25 =	sadd.s32 $0x180, s25;
	[sflag:s14] =	ssyncadd.s32 $0xFFFFC000  }
0x43: {  	[tilespmem:s18], [sflag:$0x2] =	stream.indirect.gather [hbm4b:s4+s16], $0x80, s25, s16, $0xb8;
	[tilespmem:$0x1E800] =	vst v63  }
0x44: {  	_ =	swait.ge [sflag:s19], $0x4000  }
0x45: {  	[sflag:s19] =	ssyncset.done $0x0  }
0x46: {  	[sflag:s19] =	ssyncadd.s32 $0xFFFFC000  }
0x47: {  	[spmem:s2] =	stream.indirect.scatter.add.f32 [tilespmem:s17], [sflag:$0x3], $0x80, s21, s16, $0xb8;
	[tilespmem:$0x1E800] =	vst v63  }
0x48: {  	_ =	swait.ge [sflag:s14], $0x4000  }
0x49: {  	[sflag:s14] =	ssyncset.done $0x0  }
0x4a: {  	[sflag:s14] =	ssyncadd.s32 $0xFFFFC000  }
0x4b: {  	_ =	swait.ge [sflag:s20], $0x4000  }
0x4c: {  	[sflag:s20] =	ssyncset.done $0x0  }
0x4d: {  	[sflag:s20] =	ssyncadd.s32 $0xFFFFC000  }
0x4e: {  	[spmem:s2] =	stream.indirect.scatter.add.f32 [tilespmem:s18], [sflag:$0x3], $0x80, s22, s16, $0xb8;
	[tilespmem:$0x1E800] =	vst v63  }
0x4f: {  	_ =	swait.ge [sflag:s14], $0x4000  }
0x50: {  	[sflag:s14] =	ssyncset.done $0x0  }
0x51: {  	s24 =	simm.s32 $0x0;
	[sflag:s14] =	ssyncadd.s32 $0xFFFFC000  }
0x52: {  	[tilespmem:s24], [sflag:$0x3] =	stream.linear.gather [hbm4b:s11+s24], $0x1400, $0x38;
	[tilespmem:$0x1E800] =	vst v63  }
0x53: {  	_ =	swait.ge [sflag:s14], $0x1400  }
0x54: {  	[sflag:s14] =	ssyncset.done $0x0  }
0x55: {  	[sflag:s14] =	ssyncadd.s32 $0xFFFFEC00  }
0x56: {  	[tilespmem:s15], [sflag:$0x3] =	stream.linear.gather [hbm4b:s12+s24], $0x1400, $0x38;
	[tilespmem:$0x1E800] =	vst v63  }
0x57: {  	_ =	swait.ge [sflag:s14], $0x1400  }
0x58: {  	[sflag:s14] =	ssyncset.done $0x0  }
0x59: {  	[sflag:s14] =	ssyncadd.s32 $0xFFFFEC00  }
0x5a: {  	[tilespmem:s17], [sflag:$0x1] =	stream.indirect.gather [hbm4b:s4+s16], $0x80, s24, s16, $0xb8;
	[tilespmem:$0x1E800] =	vst v63  }
0x5b: {  	_ = 	snop  }
0x5c: {  	[tilespmem:s18], [sflag:$0x2] =	stream.indirect.gather [hbm4b:s4+s16], $0x80, s16, s16, $0xb8;
	[tilespmem:$0x1E800] =	vst v63  }
0x5d: {  	_ =	swait.ge [sflag:s19], $0x4000  }
0x5e: {  	[sflag:s19] =	ssyncset.done $0x0  }
0x5f: {  	s29 =	simm.s32 $0x1400;
	[sflag:s19] =	ssyncadd.s32 $0xFFFFC000  }
0x60: {  	[spmem:s2] =	stream.indirect.scatter.add.f32 [tilespmem:s17], [sflag:$0x3], $0x80, s29, s16, $0xb8;
	[tilespmem:$0x1E800] =	vst v63  }
0x61: {  	_ =	swait.ge [sflag:s14], $0x4000  }
0x62: {  	[sflag:s14] =	ssyncset.done $0x0  }
0x63: {  	s30 =	simm.s32 $0x100;
	[sflag:s14] =	ssyncadd.s32 $0xFFFFC000  }
0x64: {  	[tilespmem:s17], [sflag:$0x1] =	stream.indirect.gather [hbm4b:s4+s16], $0x80, s30, s16, $0xb8;
	[tilespmem:$0x1E800] =	vst v63  }
0x65: {  	_ =	swait.ge [sflag:s20], $0x4000  }
0x66: {  	[sflag:s20] =	ssyncset.done $0x0  }
0x67: {  	s31 =	simm.s32 $0x1480;
	[sflag:s20] =	ssyncadd.s32 $0xFFFFC000  }
0x68: {  	[spmem:s2] =	stream.indirect.scatter.add.f32 [tilespmem:s18], [sflag:$0x3], $0x80, s31, s16, $0xb8;
	[tilespmem:$0x1E800] =	vst v63  }
0x69: {  	_ =	swait.ge [sflag:s14], $0x4000  }
0x6a: {  	[sflag:s14] =	ssyncset.done $0x0  }
0x6b: {  	s25 =	simm.s32 $0x180;
	s24 =	simm.s32 $0x400;
	[sflag:s14] =	ssyncadd.s32 $0xFFFFC000  }
.LBB2_4:
0x6c: {  	[tilespmem:s18], [sflag:$0x2] =	stream.indirect.gather [hbm4b:s4+s16], $0x80, s25, s16, $0xb8;
	[tilespmem:$0x1E800] =	vst v63  }
0x6d: {  	s25 =	smov.u32 s24  }
0x6e: {  	p0 =	sne.s32 s24, $0x4800;
	s24 =	sadd.s32 $0x400, s24;
	_ =	swait.ge [sflag:s19], $0x4000  }
0x6f: {  	s25 =	sshra.s32 s25, $0x2;
	[sflag:s19] =	ssyncset.done $0x0  }
0x70: {  	s26 =	sadd.s32 $0x1400, s25;
	[sflag:s19] =	ssyncadd.s32 $0xFFFFC000  }
0x71: {  	[spmem:s2] =	stream.indirect.scatter.add.f32 [tilespmem:s17], [sflag:$0x3], $0x80, s26, s16, $0xb8;
	[tilespmem:$0x1E800] =	vst v63  }
0x72: {  	_ =	swait.ge [sflag:s14], $0x4000  }
0x73: {  	[sflag:s14] =	ssyncset.done $0x0  }
0x74: {  	s26 =	sadd.s32 $0x100, s25;
	[sflag:s14] =	ssyncadd.s32 $0xFFFFC000  }
0x75: {  	[tilespmem:s17], [sflag:$0x1] =	stream.indirect.gather [hbm4b:s4+s16], $0x80, s26, s16, $0xb8;
	[tilespmem:$0x1E800] =	vst v63  }
0x76: {  	_ =	swait.ge [sflag:s20], $0x4000  }
0x77: {  	[sflag:s20] =	ssyncset.done $0x0  }
.Ltmp1:
0x78: {  	s26 =	sadd.s32 $0x1480, s25;
	[sflag:s20] =	ssyncadd.s32 $0xFFFFC000;
	(pc) =	sbr.rel @p0 .LBB2_4-.Ltmp1, $4  }
0x79: {  	[spmem:s2] =	stream.indirect.scatter.add.f32 [tilespmem:s18], [sflag:$0x3], $0x80, s26, s16, $0xb8;
	[tilespmem:$0x1E800] =	vst v63  }
0x7a: {  	_ =	swait.ge [sflag:s14], $0x4000  }
0x7b: {  	[sflag:s14] =	ssyncset.done $0x0  }
0x7c: {  	s25 =	sadd.s32 $0x180, s25;
	[sflag:s14] =	ssyncadd.s32 $0xFFFFC000  }
0x7d: {  	[tilespmem:s18], [sflag:$0x2] =	stream.indirect.gather [hbm4b:s4+s16], $0x80, s25, s16, $0xb8;
	[tilespmem:$0x1E800] =	vst v63  }
0x7e: {  	_ =	swait.ge [sflag:s19], $0x4000  }
0x7f: {  	[sflag:s19] =	ssyncset.done $0x0  }
0x80: {  	[sflag:s19] =	ssyncadd.s32 $0xFFFFC000  }
0x81: {  	[spmem:s2] =	stream.indirect.scatter.add.f32 [tilespmem:s17], [sflag:$0x3], $0x80, s21, s16, $0xb8;
	[tilespmem:$0x1E800] =	vst v63  }
0x82: {  	_ =	swait.ge [sflag:s14], $0x4000  }
0x83: {  	[sflag:s14] =	ssyncset.done $0x0  }
0x84: {  	[sflag:s14] =	ssyncadd.s32 $0xFFFFC000  }
0x85: {  	_ =	swait.ge [sflag:s20], $0x4000  }
0x86: {  	[sflag:s20] =	ssyncset.done $0x0  }
0x87: {  	[sflag:s20] =	ssyncadd.s32 $0xFFFFC000  }
0x88: {  	[spmem:s2] =	stream.indirect.scatter.add.f32 [tilespmem:s18], [sflag:$0x3], $0x80, s22, s16, $0xb8;
	[tilespmem:$0x1E800] =	vst v63  }
0x89: {  	_ =	swait.ge [sflag:s14], $0x4000  }
0x8a: {  	s23 =	sadd.s32 $0x1, s23;
	[sflag:s14] =	ssyncset.done $0x0  }
0x8b: {  	p0 =	sne.s32 s23, s8;
	[sflag:s14] =	ssyncadd.s32 $0xFFFFC000  }
.Ltmp2:
0x8c: {  	[bflag:$0x0] =	sbarrier.arrive $0xFFFF;
	(pc) =	sbr.rel @p0 .LBB2_1-.Ltmp2, $4  }
0x8d: {  	[hbm:s7], [sflag:s6] =	dma.local [spmem:s13], $0x2800  }
0x8e: {  	_ =	swait.ge [sflag:s14], $0x2800  }
0x8f: {  	[sflag:s14] =	ssyncset.done $0x0  }
0x90: {  	[sflag:s14] =	ssyncadd.s32 $0xFFFFD800  }
0x91: {  	_ =	sfence.sel $0x180000  }
0x92: {  	[bflag:$0x0] =	sbarrier.arrive $0xFFFF  }
0x93: {  	p0 =	sne.s32 s1, $0x0;
	_ =	strace $0x9000004D  }
0x94: {  	s0 =	sadd.s32 @!p0 $0x100000, s0;
	[bflag:$0x2] =	sbarrier.arrive $0xFFFF  }
0x95: {  	[sflag:s0] =	ssyncadd.tile.s32 @!p0 $0x1;
	_ =	shalt  }
.Lfunc_end2:
_tile_overlayer_lowered:
.L_overlay_start_2:
0x96: {  	(tag) =	ssettag $0x2  }
0x97: {  	s0 =	rddreg [dreg:$0x0];
	s2 =	stileid.u32  }
0x98: {  	s1 =	rddreg [dreg:$0x1];
	p0 =	sne.s32 s2, $0x0  }
0x99: {  	s3 =	rddreg [dreg:$0x2];
	[bflag:$0x3] =	sbarrier.arrive $0xFFFF;
	s2 =	simm.s32 @!p0 $0x1C03  }
0x9a: {  	[timem:s3], [sflag:s2] =	dma.local @!p0 [hbm:s0], s1  }
0x9b: {  	s0 =	simm.s32 @!p0 $0x3  }
0x9c: {  	_ =	swait.ge @!p0 [sflag:s0], s1  }
0x9d: {  	s1 =	ssub.s32 @!p0 $0x0, s1;
	[sflag:s0] =	ssyncset.done @!p0 $0x0  }
0x9e: {  	[sflag:s0] =	ssyncadd.s32 @!p0 s1  }
0x9f: {  	[bflag:$0x3] =	sbarrier.arrive $0xFFFF  }
0xa0: {  	_ =	shalt  }

// kernel: kernel.9.cloned.1.call-start
scs
__scs_entry_jumppad:
0x0: {  	(pc) =	sbr.rel $0x88, $3  }
0x1: {  	(tag) =	ssettag $0x0;
	lr =	simm.s32 $0x1  }
0x2: {  	[smem:$0x3F99] =	sst lr;
	_ =	strace $0xD0000000  }
0x3: {  	_ = 	snop  }
0x4: {  	_ = 	snop  }
0x5: {  	_ = 	snop  }
0x6: {  	_ = 	snop  }
0x7: {  	_ = 	snop  }
__scs_overlays_trampoline_lowered:
0x8: {  	[smem:$0x3FA8] =	sst s0  }
0x9: {  	[smem:$0x3FA9] =	sst s1  }
0xa: {  	[smem:$0x3FAA] =	sst s2  }
0xb: {  	[smem:$0x3FAB] =	sst s3  }
0xc: {  	[smem:$0x3FAC] =	sst s4  }
0xd: {  	[smem:$0x3FAD] =	sst s5  }
0xe: {  	[smem:$0x3FAE] =	sst s6  }
0xf: {  	[smem:$0x3FAF] =	sst s7  }
0x10: {  	[smem:$0x3FB0] =	sst s8  }
0x11: {  	[smem:$0x3FB1] =	sst s9;
	s0 =	simm.s32 @!p0 $0x0  }
0x12: {  	s1 =	sld [smem:$0x3F97];
	s0 =	simm.s32 @p0 $0x1  }
0x13: {  	[smem:$0x3FB2] =	sst s0;
	s0 =	simm.s32 @!p1 $0x0  }
0x14: {  	s2 =	sld [smem:$0x3F96];
	s0 =	simm.s32 @p1 $0x1  }
0x15: {  	[smem:$0x3FB3] =	sst s0;
	s0 =	simm.s32 @!p2 $0x0  }
0x16: {  	s3 =	sld [smem:$0x3FDB];
	s0 =	simm.s32 @p2 $0x1  }
0x17: {  	s4 =	simm.s32 $0x1BF5;
	[smem:$0x3FB5] =	sst s0  }
0x18: {  	s0 =	sld [smem:$0x3F98];
	_ =	swait.ge [sflag:s4], $0x0  }
0x19: {  	s7 =	sld [smem:$0x3F99]  }
0x1a: {  	s8 =	sadd.s32 $0xFFFFE003, lr  }
0x1b: {  	s9 =	sadd.s32 $0xFFFFFEF7, lr;
	s5 =	simm.s32 $0xFFFFFFFF;
	p2 =	slt.u32 s8, $0xFFFFF086  }
0x1c: {  	p1 =	slt.u32 s9, $0xF7A;
	s5 =	simm.s32 @!p2 $0x0  }
0x1d: {  	s5 =	simm.s32 @p1 $0x1;
	p0 =	seq.s32 s7, s2  }
0x1e: {  	s7 =	smul.u32 @!p0 $0xF7A, s2;
	p2 =	seq.s32 @!p0 s5, $0x0  }
0x1f: {  	s9 =	smul.u32 $0xF7A, s1;
	s8 =	simm.s32 @!p0 $0x1BF5;
	p2 =	por !p2, p0  }
0x20: {  	[sflag:s8] =	ssyncset.s32 @!p0 $0xFFFFF086;
	s6 =	sadd.s32 @!p0 s3, s7;
	s7 =	simm.s32 @!p0 $0x108  }
0x21: {  	s3 =	sadd.s32 s3, s9;
	s6 =	sadd.s32 @!p0 $0x88, s6;
	s7 =	simm.s32 @p2 $0x1082  }
0x22: {  	[simem:s7], [sflag:s8] =	dma.local @!p0 [hbm:s6], $0xF7A  }
0x23: {  	s9 =	sor.u32 $0xD0000000, s2;
	s6 =	simm.s32 $0x108;
	_ =	swait.ge @!p0 [sflag:s8], $0x0  }
0x24: {  	s3 =	sadd.s32 $0x88, s3;
	s6 =	simm.s32 @!p1 $0x1082;
	[sflag:s4] =	ssyncset.s32 $0xFFFFF086  }
0x25: {  	[simem:s6], [sflag:s4] =	dma.local [hbm:s3], $0xF7A  }
0x26: {  	[smem:$0x3F99] =	sst s1;
	(tag) =	ssettag s2;
	_ =	strace s9  }
0x27: {  	s1 =	sld [smem:$0x3FA9]  }
0x28: {  	s2 =	sld [smem:$0x3FAA]  }
0x29: {  	s4 =	sld [smem:$0x3FAC]  }
0x2a: {  	p0 =	seq.s32 s5, $0x0;
	s5 =	sld [smem:$0x3FAD]  }
0x2b: {  	s6 =	sld [smem:$0x3FAE]  }
0x2c: {  	s7 =	sld [smem:$0x3FAF]  }
0x2d: {  	s3 =	simm.s32 $0x108;
	s8 =	sld [smem:$0x3FB0]  }
0x2e: {  	s3 =	simm.s32 @!p0 $0x1082;
	s9 =	sld [smem:$0x3FB1]  }
0x2f: {  	lr =	sadd.s32 s0, s3;
	s0 =	sld [smem:$0x3FA8]  }
0x30: {  	s3 =	sld [smem:$0x3FAB]  }
0x31: {  	[smem:$0x3FB4] =	sst s10  }
0x32: {  	s10 =	sld [smem:$0x3FB2];
	_ =	sdelay $0x3  }
0x33: {  	p0 =	seq.s32 s10, $0x1;
	s10 =	sld [smem:$0x3FB4];
	_ =	sdelay $0x3  }
0x34: {  	[smem:$0x3FB4] =	sst s10  }
0x35: {  	s10 =	sld [smem:$0x3FB3];
	_ =	sdelay $0x3  }
0x36: {  	p1 =	seq.s32 s10, $0x1;
	s10 =	sld [smem:$0x3FB4];
	_ =	sdelay $0x3  }
0x37: {  	[smem:$0x3FB4] =	sst s10  }
0x38: {  	s10 =	sld [smem:$0x3FB5]  }
0x39: {  	_ = 	snop;
	(pc) =	sbr.ind lr, $3  }
0x3a: {  	_ = 	snop  }
0x3b: {  	_ = 	snop  }
0x3c: {  	p2 =	seq.s32 s10, $0x1;
	s10 =	sld [smem:$0x3FB4]  }
0x3d: {  	_ =	shalt  }
0x3e: {  	_ =	shalt  }
0x3f: {  	_ =	shalt  }
0x40: {  	_ =	shalt  }
0x41: {  	_ =	shalt  }
0x42: {  	_ =	shalt  }
0x43: {  	_ =	shalt  }
0x44: {  	_ =	shalt  }
0x45: {  	_ =	shalt  }
0x46: {  	_ =	shalt  }
0x47: {  	_ =	shalt  }
0x48: {  	_ =	shalt  }
0x49: {  	_ =	shalt  }
0x4a: {  	_ =	shalt  }
0x4b: {  	_ =	shalt  }
0x4c: {  	_ =	shalt  }
0x4d: {  	_ =	shalt  }
0x4e: {  	_ =	shalt  }
0x4f: {  	_ =	shalt  }
0x50: {  	_ =	shalt  }
0x51: {  	_ =	shalt  }
0x52: {  	_ =	shalt  }
0x53: {  	_ =	shalt  }
0x54: {  	_ =	shalt  }
0x55: {  	_ =	shalt  }
0x56: {  	_ =	shalt  }
0x57: {  	_ =	shalt  }
0x58: {  	_ =	shalt  }
0x59: {  	_ =	shalt  }
0x5a: {  	_ =	shalt  }
0x5b: {  	_ =	shalt  }
0x5c: {  	_ =	shalt  }
0x5d: {  	_ =	shalt  }
0x5e: {  	_ =	shalt  }
0x5f: {  	_ =	shalt  }
0x60: {  	_ =	shalt  }
0x61: {  	_ =	shalt  }
0x62: {  	_ =	shalt  }
0x63: {  	_ =	shalt  }
0x64: {  	_ =	shalt  }
0x65: {  	_ =	shalt  }
0x66: {  	_ =	shalt  }
0x67: {  	_ =	shalt  }
0x68: {  	_ =	shalt  }
0x69: {  	_ =	shalt  }
0x6a: {  	_ =	shalt  }
0x6b: {  	_ =	shalt  }
0x6c: {  	_ =	shalt  }
0x6d: {  	_ =	shalt  }
0x6e: {  	_ =	shalt  }
0x6f: {  	_ =	shalt  }
0x70: {  	_ =	shalt  }
0x71: {  	_ =	shalt  }
0x72: {  	_ =	shalt  }
0x73: {  	_ =	shalt  }
0x74: {  	_ =	shalt  }
0x75: {  	_ =	shalt  }
0x76: {  	_ =	shalt  }
0x77: {  	_ =	shalt  }
0x78: {  	_ =	shalt  }
0x79: {  	_ =	shalt  }
0x7a: {  	_ =	shalt  }
0x7b: {  	_ =	shalt  }
0x7c: {  	_ =	shalt  }
0x7d: {  	_ =	shalt  }
0x7e: {  	_ =	shalt  }
0x7f: {  	_ =	shalt  }
0x80: {  	_ =	shalt  }
0x81: {  	_ =	shalt  }
0x82: {  	_ =	shalt  }
0x83: {  	_ =	shalt  }
0x84: {  	_ =	shalt  }
0x85: {  	_ =	shalt  }
0x86: {  	_ =	shalt  }
0x87: {  	_ =	shalt  }
.Lfunc_end0:
.L_simem_size_0:
called_computation_lowered:
.L_overlay_start_0:
0x88: {  	s2 =	sld [smem:$0x3FD9]  }
0x89: {  	s3 =	sld [smem:$0x3FFE];
	_ =	sdelay $0x1  }
0x8a: {  	s1 =	srdreg.scid  }
0x8b: {  	s0 =	sand.u32 $0x1, s1  }
0x8c: {  	s14 =	sshll.u32 s0, $0xA;
	s2 =	sadd.s32 s3, s2  }
0x8d: {  	s2 =	sadd.s32 s2, s14  }
0x8e: {  	[smem:$0x3FC0] =	sst s2  }
0x8f: {  	_ = 	snop  }
0x90: {  	s2 =	sld [smem:$0x3FD0];
	_ =	sdelay $0x2  }
0x91: {  	s15 =	simm.s32 $0xA;
	s4 =	simm.s32 $0x10  }
0x92: {  	[smem:s4], [sflag:s15] =	dma.local [hbm:s2], $0x1  }
0x93: {  	_ =	swait.eq [sflag:s15], $0x1  }
0x94: {  	[sflag:s15] =	ssyncset.done $0x0  }
0x95: {  	[sflag:s15] =	ssyncadd.s32 $0xFFFFFFFF  }
0x96: {  	s16 =	sld [smem:$0x10];
	(tm) =	ssettm $0x1  }
0x97: {  	s17 =	sld [smem:$0x3FFB];
	_ =	sdelay $0x3  }
0x98: {  	_ =	strace s17  }
0x99: {  	s3 =	sld [smem:$0x3FFC];
	_ =	sdelay $0x3  }
0x9a: {  	_ =	strace s3  }
0x9b: {  	s3 =	sld [smem:$0x3FFD];
	_ =	sdelay $0x3  }
0x9c: {  	_ =	strace s3  }
0x9d: {  	_ =	strace $0x8FFFFFFF  }
0x9e: {  	s18 =	sld [smem:$0x3FDB];
	_ =	sdelay $0x1  }
0x9f: {  	s19 =	simm.s32 $_scs_section_size  }
0xa0: {  	s5 =	simm.s32 $_size__tile_overlayer_lowered;
	s6 =	simm.s32 $_tile_overlayer_lowered  }
0xa1: {  	s22 =	simm.s32 $0x1BFF;
	s21 =	sshll.u32 s6, $0x1;
	s3 =	sadd.s32 s19, s18  }
0xa2: {  	s7 =	simm.s32 $0x0;
	s20 =	sshll.u32 s5, $0x1;
	s5 =	sadd.s32 s21, s3  }
0xa3: {  	[timem:s7], [sflag:s22] =	dma.local [hbm:s5], s20  }
0xa4: {  	_ =	swait.ge [sflag:s22], s20  }
0xa5: {  	s4 =	ssub.s32 $0x0, s20;
	[sflag:s22] =	ssyncset.done $0x0  }
0xa6: {  	[sflag:s22] =	ssyncadd.s32 s4;
	_ =	sdelay $0x1  }
0xa7: {  	s23 =	simm.s32 $0x1B8B  }
0xa8: {  	_ =	swait.ge [sflag:s23], $0x1  }
0xa9: {  	[sflag:s23] =	ssyncset.done $0x0  }
0xaa: {  	s25 =	simm.s32 $0x1B8E;
	s24 =	sld [smem:$0x3FFE];
	[sflag:s23] =	ssyncadd.s32 $0xFFFFFFFF  }
0xab: {  	s26 =	simm.s32 $execute0_lowered;
	[smem:$0x3FD2] =	sst s25  }
0xac: {  	s5 =	sshll.u32 s26, $0x1;
	_ =	strace $0x80000046;
	[dreg:$0x1] =	wrdreg $0xFFFFFFFF  }
0xad: {  	s28 =	simm.s32 $_size_execute0_lowered;
	s3 =	sadd.s32 s3, s5;
	[dreg:$0x0] =	wrdreg $0x0  }
0xae: {  	s5 =	sshll.u32 s28, $0x1;
	[dreg:$0x2] =	wrdreg s3  }
0xaf: {  	[dreg:$0x3] =	wrdreg s5  }
0xb0: {  	[dreg:$0x4] =	wrdreg $0xC0  }
0xb1: {  	_ =	task [dreg:s7], $0x5FFFF  }
0xb2: {  	[dreg:$0x1] =	wrdreg $0xFFFFFFFF  }
0xb3: {  	[dreg:$0x0] =	wrdreg $0x60  }
0xb4: {  	[dreg:$0x2] =	wrdreg s16  }
0xb5: {  	[dreg:$0x3] =	wrdreg s24  }
0xb6: {  	[dreg:$0x4] =	wrdreg $0x68000  }
0xb7: {  	[dreg:$0x5] =	wrdreg $0x9  }
0xb8: {  	_ =	task.clear_ibuf [dreg:s7], $0x6FFFF;
	_ =	strace $0x90000046  }
0xb9: {  	s29 =	simm.s32 $0x9;
	_ =	strace $0x80000048  }
0xba: {  	_ =	swait.ge [sflag:s29], $0x1  }
0xbb: {  	[sflag:s29] =	ssyncadd.s32 $0xFFFFFFFF  }
0xbc: {  	_ =	strace $0x90000048  }
0xbd: {  	_ =	sfence  }
0xbe: {  	s30 =	sld [smem:$0x0];
	_ =	sdelay $0x2  }
0xbf: {  	s31 =	sshll.u32 s1, $0xD;
	s1 =	sshrl.u32 s1, $0x2  }
0xc0: {  	s3 =	sand.u32 $0x4000, s31;
	s1 =	sadd.s32 s1, s30  }
0xc1: {  	s0 =	sor.u32 s3, s0;
	s1 =	sshll.u32 s1, $0x11  }
0xc2: {  	s0 =	sor.u32 s1, s0  }
0xc3: {  	s0 =	sadd.s32 $0x8F2B, s0  }
0xc4: {  	[sflag:s0] =	ssyncadd.remote.s32 $0x1  }
0xc5: {  	_ =	sfence.sel $0xFFFF  }
0xc6: {  	[dreg:$0x0] =	wrdreg $0xFFFFFFFF;
	(pc) =	sbr.abs _section_cstart, $3  }
0xc7: {  	[dreg:$0x1] =	wrdreg $0xFFFFFFFF  }
0xc8: {  	_ =	task.clear_ibuf [dreg:s7], $0x2FFFF;
	_ =	strace $0x9FFFFFFF  }
0xc9: {  	(tm) =	ssettm $0x7FFFFFFF  }
tec
execute0_lowered:
.L_overlay_start_1:
0x0: {  	(tag) =	ssettag $0x1  }
0x1: {  	s7 =	rddreg [dreg:$0x0]  }
0x2: {  	s6 =	rddreg [dreg:$0x1]  }
0x3: {  	s1 =	rddreg [dreg:$0x2]  }
0x4: {  	s2 =	srdreg.scid;
	s0 =	rddreg [dreg:$0x3];
	s3 =	simm.s32 $0x0  }
0x5: {  	s12 =	simm.s32 $0x2800;
	s13 =	simm.s32 $0x80;
	s8 =	sand.u32 $0x1, s2  }
0x6: {  	s14 =	simm.s32 $0x0;
	s2 =	stileid.u32;
	s9 =	smul.u32 $0x140000, s8  }
0x7: {  	[smem:$0x7FF] =	sst s3;
	s4 =	sadd.s32 $0x4E00, s6;
	s10 =	smul.u32 $0x14000, s2  }
0x8: {  	s5 =	sadd.s32 $0x2600, s6;
	_ =	strace $0x80000047;
	s26 =	smul.u32 $0x50000, s2  }
0x9: {  	s11 =	sshll.u32 s8, $0x4;
	s28 =	ssub.s32 $0x2, s8;
	s31 =	sshll.u32 s2, $0x6  }
0xa: {  	s29 =	sor.u32 s2, s11;
	s30 =	sshrl.u32 s28, $0x1;
	s9 =	sadd.s32 s10, s9  }
0xb: {  	s10 =	sshrl.u32 s26, $0x2;
	s8 =	smul.u32 $0x500, s29;
	s9 =	sshrl.u32 s9, $0x3  }
0xc: {  	s11 =	ssub.s32 s28, s30;
	s10 =	sadd.s32 s10, s1;
	s9 =	sadd.s32 s9, s6  }
0xd: {  	s6 =	sor.u32 $0x1C01, s31;
	s7 =	sadd.s32 s7, s8;
	s10 =	sshrl.u32 s10, $0x3  }
0xe: {  	s8 =	sadd.s32 $0x5600, s9;
	s9 =	smax.u32 s11, $0x1;
	s11 =	simm.s32 $0x1  }
.LBB2_1:
0xf: {  	[spmem:s10], [sflag:s6] =	dma.local [hbm:s5], $0x2800  }
0x10: {  	_ =	swait.ge [sflag:s11], $0x2800  }
0x11: {  	[sflag:s11] =	ssyncset.done $0x0  }
0x12: {  	[sflag:s11] =	ssyncadd.s32 $0xFFFFD800  }
0x13: {  	[tilespmem:s12], [sflag:$0x1] =	stream.linear.gather [hbm4b:s4+s3], $0x4000, $0x38;
	[tilespmem:$0x1A800] =	vst v63  }
0x14: {  	_ =	swait.ge [sflag:s11], $0x4000  }
0x15: {  	[sflag:s11] =	ssyncset.done $0x0  }
0x16: {  	[sflag:s11] =	ssyncadd.s32 $0xFFFFC000  }
0x17: {  	[tilespmem:s3], [sflag:$0x1] =	stream.linear.gather [hbm4b:s7+s3], $0x2800, $0x38;
	[tilespmem:$0x1A800] =	vst v63  }
0x18: {  	_ =	swait.ge [sflag:s11], $0x2800  }
0x19: {  	[sflag:s11] =	ssyncset.done $0x0  }
0x1a: {  	[sflag:s11] =	ssyncadd.s32 $0xFFFFD800  }
0x1b: {  	s15 =	simm.s32 $0x0;
	[bflag:$0x0] =	sbarrier.arrive $0xFFFF  }
0x1c: {  	[spmem:s1] =	stream.indirect.scatter.add.f32 [tilespmem:s12], [sflag:$0x1], $0x80, s15, s13, $0xb8;
	[tilespmem:$0x1A800] =	vst v63  }
0x1d: {  	_ =	swait.ge [sflag:s11], $0x4000  }
0x1e: {  	s15 =	simm.s32 $0x200;
	[sflag:s11] =	ssyncset.done $0x0  }
.LBB2_2:
0x1f: {  	s16 =	sshra.s32 s15, $0x2;
	[sflag:s11] =	ssyncadd.s32 $0xFFFFC000;
	p0 =	sne.s32 s15, $0x9E00  }
0x20: {  	[spmem:s1] =	stream.indirect.scatter.add.f32 [tilespmem:s12], [sflag:$0x1], $0x80, s16, s13, $0xb8;
	[tilespmem:$0x1A800] =	vst v63  }
.Ltmp0:
0x21: {  	_ = 	snop;
	(pc) =	sbr.rel @p0 .LBB2_2-.Ltmp0, $4  }
0x22: {  	_ = 	snop  }
0x23: {  	s15 =	sadd.s32 $0x200, s15  }
0x24: {  	_ =	swait.ge [sflag:s11], $0x4000  }
0x25: {  	[sflag:s11] =	ssyncset.done $0x0  }
0x26: {  	s14 =	sadd.s32 $0x1, s14  }
0x27: {  	[sflag:s11] =	ssyncadd.s32 $0xFFFFC000;
	p0 =	sne.s32 s14, s9  }
.Ltmp1:
0x28: {  	[bflag:$0x0] =	sbarrier.arrive $0xFFFF;
	(pc) =	sbr.rel @p0 .LBB2_1-.Ltmp1, $4  }
0x29: {  	[hbm:s8], [sflag:s6] =	dma.local [spmem:s10], $0x2800  }
0x2a: {  	_ =	swait.ge [sflag:s11], $0x2800  }
0x2b: {  	[sflag:s11] =	ssyncset.done $0x0  }
0x2c: {  	[sflag:s11] =	ssyncadd.s32 $0xFFFFD800  }
0x2d: {  	_ =	sfence.sel $0x180000  }
0x2e: {  	[bflag:$0x0] =	sbarrier.arrive $0xFFFF  }
0x2f: {  	p0 =	sne.s32 s2, $0x0;
	_ =	strace $0x90000047  }
0x30: {  	s0 =	sadd.s32 @!p0 $0x100000, s0;
	[bflag:$0x2] =	sbarrier.arrive $0xFFFF  }
0x31: {  	[sflag:s0] =	ssyncadd.tile.s32 @!p0 $0x1;
	_ =	shalt  }
.Lfunc_end2:
_tile_overlayer_lowered:
.L_overlay_start_2:
0x32: {  	(tag) =	ssettag $0x2  }
0x33: {  	s0 =	rddreg [dreg:$0x0];
	s2 =	stileid.u32  }
0x34: {  	s1 =	rddreg [dreg:$0x1];
	p0 =	sne.s32 s2, $0x0  }
0x35: {  	s3 =	rddreg [dreg:$0x2];
	[bflag:$0x3] =	sbarrier.arrive $0xFFFF;
	s2 =	simm.s32 @!p0 $0x1C01  }
0x36: {  	[timem:s3], [sflag:s2] =	dma.local @!p0 [hbm:s0], s1  }
0x37: {  	s0 =	simm.s32 @!p0 $0x1  }
0x38: {  	_ =	swait.ge @!p0 [sflag:s0], s1  }
0x39: {  	s1 =	ssub.s32 @!p0 $0x0, s1;
	[sflag:s0] =	ssyncset.done @!p0 $0x0  }
0x3a: {  	[sflag:s0] =	ssyncadd.s32 @!p0 s1  }
0x3b: {  	[bflag:$0x3] =	sbarrier.arrive $0xFFFF  }
0x3c: {  	_ =	shalt  }

</sc_bundles>
